<compile_context>
chip_gen: v7x
topology: tpu7x:2x2x1
jax: 0.10.2.dev20260603
libtpu: 0.0.44.dev20260713+nightly
codegen_flags: <defaults>
</compile_context>

<pallas_src>
import functools

import jax
import jax.numpy as jnp
from jax import lax
from jax.experimental import pallas as pl
from jax.experimental.pallas import tpu as pltpu
from jax.experimental.pallas import tpu_sc as plsc

N = 10000
E = 320000
D = 128
H = 128
OUT = 64

NS = 16
CH = 128
K = 160
KI = 32
E_PAD = NS * K * CH
N_PAD = 10240
RPT = N_PAD // NS
PIECES = RPT // CH
BN = 1000
G_BLK = N // BN


def _sc_mesh():
    return plsc.VectorSubcoreMesh(core_axis_name="c", subcore_axis_name="s")


def _sc_dual_segsum(table, src_i, dst_i, zb):
    @functools.partial(
        pl.kernel,
        out_type=jax.ShapeDtypeStruct((2, N_PAD, D), jnp.float32),
        mesh=_sc_mesh(),
        scratch_types=[
            pltpu.VMEM((KI, CH), jnp.int32),
            pltpu.VMEM((KI, CH), jnp.int32),
            pltpu.VMEM((CH, D), jnp.float32),
            pltpu.VMEM((CH, D), jnp.float32),
            pltpu.SemaphoreType.DMA,
            pltpu.SemaphoreType.DMA,
            pltpu.VMEM_SHARED((N_PAD, D), jnp.float32),
        ],
    )
    def k(table_h, src_h, dst_h, zb_h, out_h,
          src_v, dst_v, rows_a, rows_b, sem_a, sem_b, acc_sh):
        c = lax.axis_index("c")
        s = lax.axis_index("s")
        rs = s * RPT

        @pl.loop(0, PIECES)
        def _(p):
            off = rs + p * CH
            pltpu.sync_copy(zb_h.at[pl.ds(off, CH)], acc_sh.at[pl.ds(off, CH)])

        plsc.subcore_barrier()

        @pl.loop(0, K // KI)
        def _(o):
            pltpu.sync_copy(src_h.at[c, pl.ds(s * K + o * KI, KI)], src_v)
            pltpu.sync_copy(dst_h.at[c, pl.ds(s * K + o * KI, KI)], dst_v)
            pltpu.async_copy(table_h.at[src_v.at[0]], rows_a, sem_a)

            @pl.loop(0, KI // 2)
            def _(jj):
                j0 = 2 * jj
                pltpu.make_async_copy(table_h.at[src_v.at[j0]], rows_a, sem_a).wait()
                pltpu.async_copy(table_h.at[src_v.at[j0 + 1]], rows_b, sem_b)
                pltpu.sync_copy(rows_a, acc_sh.at[dst_v.at[j0]], add=True)
                pltpu.make_async_copy(table_h.at[src_v.at[j0 + 1]], rows_b, sem_b).wait()

                @pl.when(jj < KI // 2 - 1)
                def _():
                    pltpu.async_copy(table_h.at[src_v.at[j0 + 2]], rows_a, sem_a)

                pltpu.sync_copy(rows_b, acc_sh.at[dst_v.at[j0 + 1]], add=True)

        plsc.subcore_barrier()

        @pl.loop(0, PIECES)
        def _(p):
            off = rs + p * CH
            pltpu.sync_copy(acc_sh.at[pl.ds(off, CH)], out_h.at[c, pl.ds(off, CH)])

    return k(table, src_i, dst_i, zb)


def _sc_dual_deg(dst_i, zb, ones_h):

    @functools.partial(
        pl.kernel,
        out_type=jax.ShapeDtypeStruct((2, N_PAD, D), jnp.float32),
        mesh=_sc_mesh(),
        scratch_types=[
            pltpu.VMEM((KI, CH), jnp.int32),
            pltpu.VMEM((CH, D), jnp.float32),
            pltpu.VMEM_SHARED((N_PAD, D), jnp.float32),
        ],
    )
    def k(dst_h, zb_h, ones_hh, out_h, dst_v, ones_v, deg_sh):
        c = lax.axis_index("c")
        s = lax.axis_index("s")
        rs = s * RPT

        @pl.loop(0, PIECES)
        def _(p):
            off = rs + p * CH
            pltpu.sync_copy(zb_h.at[pl.ds(off, CH)], deg_sh.at[pl.ds(off, CH)])

        pltpu.sync_copy(ones_hh, ones_v)
        plsc.subcore_barrier()

        @pl.loop(0, K // KI)
        def _(o):
            pltpu.sync_copy(dst_h.at[c, pl.ds(s * K + o * KI, KI)], dst_v)

            @pl.loop(0, KI)
            def _(j):
                pltpu.sync_copy(ones_v, deg_sh.at[dst_v.at[j]], add=True)

        plsc.subcore_barrier()

        @pl.loop(0, PIECES)
        def _(p):
            off = rs + p * CH
            pltpu.sync_copy(deg_sh.at[pl.ds(off, CH)], out_h.at[c, pl.ds(off, CH)])

    return k(dst_i, zb, ones_h)


def _dot(a, b):
    return jnp.dot(a, b, preferred_element_type=jnp.float32)


def _tc_sage(x, acc, deg, wself, wneigh, b, residual):

    def body(x_r, acc_r, deg_r, ws_r, wn_r, b_r, out_r):
        xv = x_r[...]
        av = acc_r[...]
        dv = deg_r[...]
        ws = ws_r[...]
        wn = wn_r[...]
        bv = b_r[...]
        outs = []
        if xv.ndim == 2:
            fs = _dot(xv, ws)
            for g in range(2):
                hn = av[g] / jnp.maximum(dv[g, :, 0:1], 1.0)
                outs.append(fs + _dot(hn, wn) + bv)
        else:
            for g in range(2):
                hn = av[g] / jnp.maximum(dv[g, :, 0:1], 1.0)
                o = _dot(xv[g], ws) + _dot(hn, wn) + bv
                if residual:
                    o = o + xv[g]
                outs.append(o)
        out_r[...] = jnp.stack(outs)

    x_spec = (pl.BlockSpec((BN, D), lambda i: (i, 0)) if x.ndim == 2
              else pl.BlockSpec((2, BN, D), lambda i: (0, i, 0)))
    return pl.pallas_call(
        body,
        grid=(G_BLK,),
        in_specs=[
            x_spec,
            pl.BlockSpec((2, BN, D), lambda i: (0, i, 0)),
            pl.BlockSpec((2, BN, 128), lambda i: (0, i, 0)),
            pl.BlockSpec((D, H), lambda i: (0, 0)),
            pl.BlockSpec((D, H), lambda i: (0, 0)),
            pl.BlockSpec((1, H), lambda i: (0, 0)),
        ],
        out_specs=pl.BlockSpec((2, BN, H), lambda i: (0, i, 0)),
        out_shape=jax.ShapeDtypeStruct((2, N, H), jnp.float32),
    )(x, acc, deg, wself, wneigh, b)


def _tc_sage1_att(x1, acc1, deg, wself, wneigh, b, w_omega, u_row, w1, bl1):

    def body(x_r, acc_r, deg_r, ws_r, wn_r, b_r, wo_r, u_r, w1_r, b1_r,
             comb_r, alpha_r, st_r, accsc):
        i = pl.program_id(0)

        @pl.when(i == 0)
        def _():
            accsc[...] = jnp.zeros_like(accsc)

        xv = x_r[...]
        av = acc_r[...]
        dv = deg_r[...]
        ws = ws_r[...]
        wn = wn_r[...]
        bv = b_r[...]
        x2 = []
        for g in range(2):
            hn = av[g] / jnp.maximum(dv[g, :, 0:1], 1.0)
            x2.append(_dot(xv[g], ws) + _dot(hn, wn) + bv + xv[g])
        wo = wo_r[...]
        uv = u_r[...]
        v0 = jnp.tanh(_dot(x2[0], wo))
        v1 = jnp.tanh(_dot(x2[1], wo))
        vu0 = jnp.sum(v0 * uv, axis=1, keepdims=True) + 1e-6
        vu1 = jnp.sum(v1 * uv, axis=1, keepdims=True) + 1e-6
        m = jnp.maximum(vu0, vu1)
        e0 = jnp.exp(vu0 - m)
        e1 = jnp.exp(vu1 - m)
        tot = e0 + e1
        a0 = e0 / tot
        a1 = e1 / tot
        comb = a0 * x2[0] + a1 * x2[1]
        comb_r[...] = comb
        alpha_r[...] = jnp.concatenate([a0, a1], axis=1)
        y = _dot(comb, w1_r[...]) + b1_r[...]
        accsc[0, :] += jnp.sum(y, axis=0)
        accsc[1, :] += jnp.sum(y * y, axis=0)

        @pl.when(i == G_BLK - 1)
        def _():
            st_r[...] = accsc[...]

    return pl.pallas_call(
        body,
        grid=(G_BLK,),
        in_specs=[
            pl.BlockSpec((2, BN, H), lambda i: (0, i, 0)),
            pl.BlockSpec((2, BN, H), lambda i: (0, i, 0)),
            pl.BlockSpec((2, BN, 128), lambda i: (0, i, 0)),
            pl.BlockSpec((H, H), lambda i: (0, 0)),
            pl.BlockSpec((H, H), lambda i: (0, 0)),
            pl.BlockSpec((1, H), lambda i: (0, 0)),
            pl.BlockSpec((H, H), lambda i: (0, 0)),
            pl.BlockSpec((1, H), lambda i: (0, 0)),
            pl.BlockSpec((H, 1024), lambda i: (0, 0)),
            pl.BlockSpec((1, 1024), lambda i: (0, 0)),
        ],
        out_specs=[
            pl.BlockSpec((BN, H), lambda i: (i, 0)),
            pl.BlockSpec((BN, 2), lambda i: (i, 0)),
            pl.BlockSpec((2, 1024), lambda i: (0, 0)),
        ],
        out_shape=[
            jax.ShapeDtypeStruct((N, H), jnp.float32),
            jax.ShapeDtypeStruct((N, 2), jnp.float32),
            jax.ShapeDtypeStruct((2, 1024), jnp.float32),
        ],
        scratch_shapes=[pltpu.VMEM((2, 1024), jnp.float32)],
    )(x1, acc1, deg, wself, wneigh, b, w_omega, u_row, w1, bl1)


def _tc_attention(x2, w_omega, u_row):

    def body(x_r, wo_r, u_r, comb_r, alpha_r):
        xv = x_r[...]
        wo = wo_r[...]
        uv = u_r[...]
        v0 = jnp.tanh(_dot(xv[0], wo))
        v1 = jnp.tanh(_dot(xv[1], wo))
        vu0 = jnp.sum(v0 * uv, axis=1, keepdims=True) + 1e-6
        vu1 = jnp.sum(v1 * uv, axis=1, keepdims=True) + 1e-6
        m = jnp.maximum(vu0, vu1)
        e0 = jnp.exp(vu0 - m)
        e1 = jnp.exp(vu1 - m)
        tot = e0 + e1
        a0 = e0 / tot
        a1 = e1 / tot
        comb_r[...] = a0 * xv[0] + a1 * xv[1]
        alpha_r[...] = jnp.concatenate([a0, a1], axis=1)

    return pl.pallas_call(
        body,
        grid=(G_BLK,),
        in_specs=[
            pl.BlockSpec((2, BN, H), lambda i: (0, i, 0)),
            pl.BlockSpec((H, H), lambda i: (0, 0)),
            pl.BlockSpec((1, H), lambda i: (0, 0)),
        ],
        out_specs=[
            pl.BlockSpec((BN, H), lambda i: (i, 0)),
            pl.BlockSpec((BN, 2), lambda i: (i, 0)),
        ],
        out_shape=[
            jax.ShapeDtypeStruct((N, H), jnp.float32),
            jax.ShapeDtypeStruct((N, 2), jnp.float32),
        ],
    )(x2, w_omega, u_row)


def _tc_stats1(comb, w1, bl1):

    def body(c_r, w_r, b_r, st_r, acc):
        i = pl.program_id(0)

        @pl.when(i == 0)
        def _():
            acc[...] = jnp.zeros_like(acc)

        y = _dot(c_r[...], w_r[...]) + b_r[...]
        acc[0, :] += jnp.sum(y, axis=0)
        acc[1, :] += jnp.sum(y * y, axis=0)

        @pl.when(i == G_BLK - 1)
        def _():
            st_r[...] = acc[...]

    return pl.pallas_call(
        body,
        grid=(G_BLK,),
        in_specs=[
            pl.BlockSpec((BN, H), lambda i: (i, 0)),
            pl.BlockSpec((H, 1024), lambda i: (0, 0)),
            pl.BlockSpec((1, 1024), lambda i: (0, 0)),
        ],
        out_specs=pl.BlockSpec((2, 1024), lambda i: (0, 0)),
        out_shape=jax.ShapeDtypeStruct((2, 1024), jnp.float32),
        scratch_shapes=[pltpu.VMEM((2, 1024), jnp.float32)],
    )(comb, w1, bl1)


def _tc_mlp1(comb, st1, w1, bl1, g1, beta1, w2, bl2):

    def body(c_r, st_r, w1_r, b1_r, g1_r, be1_r, w2_r, b2_r, y2_r, st2_r, acc):
        i = pl.program_id(0)

        @pl.when(i == 0)
        def _():
            acc[...] = jnp.zeros_like(acc)

        st = st_r[...]
        mean = st[0:1, :] / N
        var = st[1:2, :] / N - mean * mean
        scale = g1_r[...] * lax.rsqrt(var + 1e-5)
        shift = be1_r[...] - mean * scale
        y1 = _dot(c_r[...], w1_r[...]) + b1_r[...]
        x = jnp.maximum(y1 * scale + shift, 0.0)
        y2 = _dot(x, w2_r[...]) + b2_r[...]
        y2_r[...] = y2
        acc[0, :] += jnp.sum(y2, axis=0)
        acc[1, :] += jnp.sum(y2 * y2, axis=0)

        @pl.when(i == G_BLK - 1)
        def _():
            st2_r[...] = acc[...]

    return pl.pallas_call(
        body,
        grid=(G_BLK,),
        in_specs=[
            pl.BlockSpec((BN, H), lambda i: (i, 0)),
            pl.BlockSpec((2, 1024), lambda i: (0, 0)),
            pl.BlockSpec((H, 1024), lambda i: (0, 0)),
            pl.BlockSpec((1, 1024), lambda i: (0, 0)),
            pl.BlockSpec((1, 1024), lambda i: (0, 0)),
            pl.BlockSpec((1, 1024), lambda i: (0, 0)),
            pl.BlockSpec((1024, H), lambda i: (0, 0)),
            pl.BlockSpec((1, H), lambda i: (0, 0)),
        ],
        out_specs=[
            pl.BlockSpec((BN, H), lambda i: (i, 0)),
            pl.BlockSpec((2, H), lambda i: (0, 0)),
        ],
        out_shape=[
            jax.ShapeDtypeStruct((N, H), jnp.float32),
            jax.ShapeDtypeStruct((2, H), jnp.float32),
        ],
        scratch_shapes=[pltpu.VMEM((2, H), jnp.float32)],
    )(comb, st1, w1, bl1, g1, beta1, w2, bl2)


def _tc_mlp2(y2, st2, g2, beta2, w3, bl3):

    def body(y_r, st_r, g_r, be_r, w_r, b_r, out_r):
        st = st_r[...]
        mean = st[0:1, :] / N
        var = st[1:2, :] / N - mean * mean
        scale = g_r[...] * lax.rsqrt(var + 1e-5)
        shift = be_r[...] - mean * scale
        x = jnp.maximum(y_r[...] * scale + shift, 0.0)
        out_r[...] = _dot(x, w_r[...]) + b_r[...]

    return pl.pallas_call(
        body,
        grid=(G_BLK,),
        in_specs=[
            pl.BlockSpec((BN, H), lambda i: (i, 0)),
            pl.BlockSpec((2, H), lambda i: (0, 0)),
            pl.BlockSpec((1, H), lambda i: (0, 0)),
            pl.BlockSpec((1, H), lambda i: (0, 0)),
            pl.BlockSpec((H, OUT), lambda i: (0, 0)),
            pl.BlockSpec((1, OUT), lambda i: (0, 0)),
        ],
        out_specs=pl.BlockSpec((BN, OUT), lambda i: (i, 0)),
        out_shape=jax.ShapeDtypeStruct((N, OUT), jnp.float32),
    )(y2, st2, g2, beta2, w3, bl3)


def _prep_edges(edge):
    src = jnp.concatenate([edge[0], jnp.zeros((E_PAD - E,), jnp.int32)])
    dst = jnp.concatenate([edge[1], jnp.full((E_PAD - E,), N, jnp.int32)])
    return src.reshape(NS * K, CH), dst.reshape(NS * K, CH)


def kernel(feat_omics1, edge_index_spatial, edge_index_feature, weight,
           Wself0, Wneigh0, b0, Wself1, Wneigh1, b1c, w_omega, u_omega,
           W1, bl1, g1, beta1, W2, bl2, g2, beta2, W3, bl3):
    zb = jnp.zeros((N_PAD, D), jnp.float32)
    ones_h = jnp.ones((CH, D), jnp.float32)

    src_s0, dst_s = _prep_edges(edge_index_spatial)
    src_f0, dst_f = _prep_edges(edge_index_feature)
    src_l0 = jnp.stack([src_s0, src_f0])
    src_l1 = jnp.stack([src_s0, src_f0 + N])
    dst_all = jnp.stack([dst_s, dst_f])

    b0r = b0.reshape(1, H)
    b1r = b1c.reshape(1, H)
    u_row = u_omega.reshape(1, H)
    bl1r = bl1.reshape(1, 1024)
    g1r = g1.reshape(1, 1024)
    beta1r = beta1.reshape(1, 1024)
    bl2r = bl2.reshape(1, H)
    g2r = g2.reshape(1, H)
    beta2r = beta2.reshape(1, H)
    bl3r = bl3.reshape(1, OUT)

    feat2 = jnp.concatenate([feat_omics1, feat_omics1])
    degN = _sc_dual_deg(dst_all, zb, ones_h)
    acc0 = _sc_dual_segsum(feat2, src_l1, dst_all, zb)
    x1 = _tc_sage(feat_omics1, acc0, degN, Wself0, Wneigh0, b0r, False)

    table1 = x1.reshape(2 * N, H)
    acc1 = _sc_dual_segsum(table1, src_l1, dst_all, zb)
    comb, alpha, st1 = _tc_sage1_att(x1, acc1, degN, Wself1, Wneigh1, b1r,
                                     w_omega, u_row, W1, bl1r)
    y2, st2 = _tc_mlp1(comb, st1, W1, bl1r, g1r, beta1r, W2, bl2r)
    out = _tc_mlp2(y2, st2, g2r, beta2r, W3, bl3r)
    return (out, alpha)

# --- scband reference (transcript-rebuilt; emitter-appended) ---
"""Pipeline reference for scband-spa-mie-net-53687091200280 (READ-ONLY COPY).

The authoritative reference and input builder live on the scoring server;
editing this copy changes nothing except your own understanding.
"""

import jax, jax.numpy as jnp
import numpy as np

N = 10000
E = 320000
D = 128
H = 128
OUT = 64

def _xavier(key, shape):
    lim = (6.0 / (shape[0] + shape[1])) ** 0.5
    return jax.random.uniform(key, shape, jnp.float32, -lim, lim)

def setup_inputs(seed: int = 0):
    key = jax.random.key(seed)
    ks = jax.random.split(key, 16)
    inp = {}
    inp['feat_omics1'] = jax.random.normal(ks[0], (N, D), jnp.float32)
    inp['edge_index_spatial'] = jax.random.randint(ks[1], (2, E), 0, N, jnp.int32)
    inp['edge_index_feature'] = jax.random.randint(ks[2], (2, E), 0, N, jnp.int32)
    inp['weight'] = 0
    inp['Wself0'] = _xavier(ks[3], (D, H))
    inp['Wneigh0'] = _xavier(ks[4], (D, H))
    inp['b0'] = jnp.zeros((H,), jnp.float32)
    inp['Wself1'] = _xavier(ks[5], (H, H))
    inp['Wneigh1'] = _xavier(ks[6], (H, H))
    inp['b1c'] = jnp.zeros((H,), jnp.float32)
    inp['w_omega'] = _xavier(ks[7], (H, H))
    inp['u_omega'] = _xavier(ks[8], (H, 1))
    inp['W1'] = _xavier(ks[9], (H, 1024))
    inp['bl1'] = jnp.zeros((1024,), jnp.float32)
    inp['g1'] = jnp.ones((1024,), jnp.float32)
    inp['beta1'] = jnp.zeros((1024,), jnp.float32)
    inp['W2'] = _xavier(ks[10], (1024, H))
    inp['bl2'] = jnp.zeros((H,), jnp.float32)
    inp['g2'] = jnp.ones((H,), jnp.float32)
    inp['beta2'] = jnp.zeros((H,), jnp.float32)
    inp['W3'] = _xavier(ks[11], (H, OUT))
    inp['bl3'] = jnp.zeros((OUT,), jnp.float32)
    return inp

def _sage_mean(h, src, dst, Wself, Wneigh, b):
    msg = jnp.take(h, src, axis=0)
    agg = jax.ops.segment_sum(msg, dst, num_segments=N)
    deg = jax.ops.segment_sum(jnp.ones((src.shape[0], 1), h.dtype), dst, num_segments=N)
    h_neigh = agg / jnp.clip(deg, 1.0, None)
    return h @ Wself + h_neigh @ Wneigh + b

def _bn(x, g, b):
    m = jnp.mean(x, axis=0)
    v = jnp.var(x, axis=0)
    return g * (x - m) / jnp.sqrt(v + 1e-5) + b

def _encoder(feat, edges, Wself0, Wneigh0, b0, Wself1, Wneigh1, b1c):
    src, dst = edges[0], edges[1]
    x = _sage_mean(feat, src, dst, Wself0, Wneigh0, b0)
    hcell = [x]
    x = _sage_mean(x, src, dst, Wself1, Wneigh1, b1c) + x  # res_add
    hcell.append(x)
    return hcell

def reference(feat_omics1, edge_index_spatial, edge_index_feature, weight, Wself0, Wneigh0, b0, Wself1, Wneigh1, b1c, w_omega, u_omega, W1, bl1, g1, beta1, W2, bl2, g2, beta2, W3, bl3):
    x_spa = _encoder(feat_omics1, edge_index_spatial, Wself0, Wneigh0, b0, Wself1, Wneigh1, b1c)
    x_fea = _encoder(feat_omics1, edge_index_feature, Wself0, Wneigh0, b0, Wself1, Wneigh1, b1c)
    # weight == False branch: attention over last-layer embeddings
    emb1, emb2 = x_spa[-1], x_fea[-1]
    emb = jnp.stack([emb1, emb2], axis=1)  # [N, 2, H]
    v = jnp.tanh(emb @ w_omega)            # [N, 2, H]
    vu = v @ u_omega                        # [N, 2, 1]
    alpha = jax.nn.softmax(jnp.squeeze(vu, -1) + 1e-6, axis=-1)  # [N, 2]
    emb_combined = jnp.squeeze(jnp.swapaxes(emb, 1, 2) @ alpha[:, :, None], -1)  # [N, H]
    # read_out
    x = emb_combined @ W1 + bl1
    x = _bn(x, g1, beta1)
    x = jax.nn.relu(x)
    x = x @ W2 + bl2
    x = _bn(x, g2, beta2)
    x = jax.nn.relu(x)
    out = x @ W3 + bl3
    return (out, alpha)

if __name__ == "__main__":
    import jax
    _d = setup_inputs()
    print(jax.jit(kernel)(*tuple(_d.values())))

</pallas_src>

<mosaic_0001>
#map = affine_map<(d0, d1) -> (0, 0)>
#map1 = affine_map<(d0, d1) -> (0, 0, 0)>
module attributes {stable_mosaic.version = 14 : i64} {
  func.func @k(%arg0: i32, %arg1: i32, %arg2: memref<20000x128xf32, #tpu.memory_space<hbm>>, %arg3: memref<2x2560x128xi32, #tpu.memory_space<hbm>>, %arg4: memref<2x2560x128xi32, #tpu.memory_space<hbm>>, %arg5: memref<10240x128xf32, #tpu.memory_space<hbm>>, %arg6: memref<2x10240x128xf32, #tpu.memory_space<hbm>>, %arg7: memref<32x128xi32, #tpu.memory_space<vmem>>, %arg8: memref<32x128xi32, #tpu.memory_space<vmem>>, %arg9: memref<128x128xf32, #tpu.memory_space<vmem>>, %arg10: memref<128x128xf32, #tpu.memory_space<vmem>>, %arg11: memref<!tpu.dma_semaphore, #tpu.memory_space<semaphore_mem>>, %arg12: memref<!tpu.dma_semaphore, #tpu.memory_space<semaphore_mem>>, %arg13: memref<10240x128xf32, #tpu.memory_space<vmem_shared>>) attributes {dimension_semantics = [#tpu.dimension_semantics<core_parallel>, #tpu.dimension_semantics<subcore_parallel>], iteration_bounds = array<i64: 2, 16>, scalar_prefetch = 0 : i64, scratch_operands = 7 : i64, tpu.core_type = #tpu.core_type<sc_vector_subcore>, window_params = [{transform_indices = #map}, {transform_indices = #map1}, {transform_indices = #map1}, {transform_indices = #map}, {transform_indices = #map1}]} {
    %mul3A = arith.constant 640 : i32
    %mul3A_0 = arith.muli %arg1, %mul3A : i32
    %scan3A = arith.constant 0 : i32
    %scan3A_1 = arith.constant 5 : i32
    %scan3A_2 = arith.addi %scan3A, %scan3A_1 : i32
    %scan3A_3 = arith.constant 1 : i32
    scf.for %scan3A_16 = %scan3A to %scan3A_2 step %scan3A_3  : i32 {
      %mul3A_17 = arith.constant 1 : i32
      %mul3A_18 = arith.muli %scan3A_16, %mul3A_17 : i32
      %add3A = arith.constant 0 : i32
      %add3A_19 = arith.addi %add3A, %mul3A_18 : i32
      %mul3A_20 = arith.constant 128 : i32
      %mul3A_21 = arith.muli %add3A_19, %mul3A_20 : i32
      %add3A_22 = arith.addi %mul3A_0, %mul3A_21 : i32
      "tpu.region"() ({
        %run_scoped3A = tpu.sem_alloc : memref<!tpu.dma_semaphore, #tpu.memory_space<semaphore_mem>>
        %dma_start3A = arith.constant 0 : i32
        %dma_start3A_23 = tpu.memref_slice %arg13[%add3A_22, %dma_start3A] : memref<10240x128xf32, #tpu.memory_space<vmem_shared>> -> memref<128x128xf32, #tpu.memory_space<vmem_shared>>
        %dma_start3A_24 = arith.constant 0 : i32
        %dma_start3A_25 = tpu.memref_slice %arg5[%add3A_22, %dma_start3A_24] : memref<10240x128xf32, #tpu.memory_space<hbm>> -> memref<128x128xf32, #tpu.memory_space<hbm>>
        tpu.enqueue_dma source(%dma_start3A_25 : memref<128x128xf32, #tpu.memory_space<hbm>>) target(%dma_start3A_23 : memref<128x128xf32, #tpu.memory_space<vmem_shared>>) target_semaphore(%run_scoped3A : memref<!tpu.dma_semaphore, #tpu.memory_space<semaphore_mem>>)
        %dma_wait3A = arith.constant 0 : i32
        %dma_wait3A_26 = tpu.memref_slice %arg13[%add3A_22, %dma_wait3A] : memref<10240x128xf32, #tpu.memory_space<vmem_shared>> -> memref<128x128xf32, #tpu.memory_space<vmem_shared>>
        %dma_wait3A_27 = arith.constant 0 : i32
        %dma_wait3A_28 = tpu.memref_slice %arg5[%add3A_22, %dma_wait3A_27] : memref<10240x128xf32, #tpu.memory_space<hbm>> -> memref<128x128xf32, #tpu.memory_space<hbm>>
        tpu.wait_dma2 semaphore(%run_scoped3A : memref<!tpu.dma_semaphore, #tpu.memory_space<semaphore_mem>>) src(%dma_wait3A_28 : memref<128x128xf32, #tpu.memory_space<hbm>>) dst(%dma_wait3A_26 : memref<128x128xf32, #tpu.memory_space<vmem_shared>>)
        tpu.yield
      }) : () -> ()
    }
    %scan3A_4 = arith.constant 5 : i32
    %barrier3A = arith.constant 0 : index
    tpu.barrier barrier_id(%barrier3A)
    %scan3A_5 = arith.constant 0 : i32
    %scan3A_6 = arith.constant 5 : i32
    %scan3A_7 = arith.addi %scan3A_5, %scan3A_6 : i32
    %scan3A_8 = arith.constant 1 : i32
    scf.for %scan3A_16 = %scan3A_5 to %scan3A_7 step %scan3A_8  : i32 {
      %mul3A_17 = arith.constant 1 : i32
      %mul3A_18 = arith.muli %scan3A_16, %mul3A_17 : i32
      %add3A = arith.constant 0 : i32
      %add3A_19 = arith.addi %add3A, %mul3A_18 : i32
      %mul3A_20 = arith.constant 160 : i32
      %mul3A_21 = arith.muli %arg1, %mul3A_20 : i32
      %mul3A_22 = arith.constant 32 : i32
      %mul3A_23 = arith.muli %add3A_19, %mul3A_22 : i32
      %add3A_24 = arith.addi %mul3A_21, %mul3A_23 : i32
      "tpu.region"() ({
        %run_scoped3A = tpu.sem_alloc : memref<!tpu.dma_semaphore, #tpu.memory_space<semaphore_mem>>
        %dma_start3A_41 = arith.constant 0 : i32
        %dma_start3A_42 = tpu.memref_slice %arg3[%arg0, %add3A_24, %dma_start3A_41] : memref<2x2560x128xi32, #tpu.memory_space<hbm>> -> memref<1x32x128xi32, #tpu.memory_space<hbm>>
        %dma_start3A_43 = tpu.memref_squeeze %dma_start3A_42 : memref<1x32x128xi32, #tpu.memory_space<hbm>> -> memref<32x128xi32, #tpu.memory_space<hbm>>
        %dma_start3A_44 = arith.constant 0 : i32
        %dma_start3A_45 = tpu.memref_slice %arg3[%arg0, %add3A_24, %dma_start3A_44] : memref<2x2560x128xi32, #tpu.memory_space<hbm>> -> memref<1x32x128xi32, #tpu.memory_space<hbm>>
        %dma_start3A_46 = tpu.memref_squeeze %dma_start3A_45 : memref<1x32x128xi32, #tpu.memory_space<hbm>> -> memref<32x128xi32, #tpu.memory_space<hbm>>
        tpu.enqueue_dma source(%dma_start3A_46 : memref<32x128xi32, #tpu.memory_space<hbm>>) target(%arg7 : memref<32x128xi32, #tpu.memory_space<vmem>>) target_semaphore(%run_scoped3A : memref<!tpu.dma_semaphore, #tpu.memory_space<semaphore_mem>>)
        %dma_wait3A = arith.constant 0 : i32
        %dma_wait3A_47 = tpu.memref_slice %arg3[%arg0, %add3A_24, %dma_wait3A] : memref<2x2560x128xi32, #tpu.memory_space<hbm>> -> memref<1x32x128xi32, #tpu.memory_space<hbm>>
        %dma_wait3A_48 = tpu.memref_squeeze %dma_wait3A_47 : memref<1x32x128xi32, #tpu.memory_space<hbm>> -> memref<32x128xi32, #tpu.memory_space<hbm>>
        %dma_wait3A_49 = arith.constant 0 : i32
        %dma_wait3A_50 = tpu.memref_slice %arg3[%arg0, %add3A_24, %dma_wait3A_49] : memref<2x2560x128xi32, #tpu.memory_space<hbm>> -> memref<1x32x128xi32, #tpu.memory_space<hbm>>
        %dma_wait3A_51 = tpu.memref_squeeze %dma_wait3A_50 : memref<1x32x128xi32, #tpu.memory_space<hbm>> -> memref<32x128xi32, #tpu.memory_space<hbm>>
        tpu.wait_dma2 semaphore(%run_scoped3A : memref<!tpu.dma_semaphore, #tpu.memory_space<semaphore_mem>>) src(%dma_wait3A_51 : memref<32x128xi32, #tpu.memory_space<hbm>>) dst(%arg7 : memref<32x128xi32, #tpu.memory_space<vmem>>)
        tpu.yield
      }) : () -> ()
      %mul3A_25 = arith.constant 160 : i32
      %mul3A_26 = arith.muli %arg1, %mul3A_25 : i32
      %mul3A_27 = arith.constant 32 : i32
      %mul3A_28 = arith.muli %add3A_19, %mul3A_27 : i32
      %add3A_29 = arith.addi %mul3A_26, %mul3A_28 : i32
      "tpu.region"() ({
        %run_scoped3A = tpu.sem_alloc : memref<!tpu.dma_semaphore, #tpu.memory_space<semaphore_mem>>
        %dma_start3A_41 = arith.constant 0 : i32
        %dma_start3A_42 = tpu.memref_slice %arg4[%arg0, %add3A_29, %dma_start3A_41] : memref<2x2560x128xi32, #tpu.memory_space<hbm>> -> memref<1x32x128xi32, #tpu.memory_space<hbm>>
        %dma_start3A_43 = tpu.memref_squeeze %dma_start3A_42 : memref<1x32x128xi32, #tpu.memory_space<hbm>> -> memref<32x128xi32, #tpu.memory_space<hbm>>
        %dma_start3A_44 = arith.constant 0 : i32
        %dma_start3A_45 = tpu.memref_slice %arg4[%arg0, %add3A_29, %dma_start3A_44] : memref<2x2560x128xi32, #tpu.memory_space<hbm>> -> memref<1x32x128xi32, #tpu.memory_space<hbm>>
        %dma_start3A_46 = tpu.memref_squeeze %dma_start3A_45 : memref<1x32x128xi32, #tpu.memory_space<hbm>> -> memref<32x128xi32, #tpu.memory_space<hbm>>
        tpu.enqueue_dma source(%dma_start3A_46 : memref<32x128xi32, #tpu.memory_space<hbm>>) target(%arg8 : memref<32x128xi32, #tpu.memory_space<vmem>>) target_semaphore(%run_scoped3A : memref<!tpu.dma_semaphore, #tpu.memory_space<semaphore_mem>>)
        %dma_wait3A = arith.constant 0 : i32
        %dma_wait3A_47 = tpu.memref_slice %arg4[%arg0, %add3A_29, %dma_wait3A] : memref<2x2560x128xi32, #tpu.memory_space<hbm>> -> memref<1x32x128xi32, #tpu.memory_space<hbm>>
        %dma_wait3A_48 = tpu.memref_squeeze %dma_wait3A_47 : memref<1x32x128xi32, #tpu.memory_space<hbm>> -> memref<32x128xi32, #tpu.memory_space<hbm>>
        %dma_wait3A_49 = arith.constant 0 : i32
        %dma_wait3A_50 = tpu.memref_slice %arg4[%arg0, %add3A_29, %dma_wait3A_49] : memref<2x2560x128xi32, #tpu.memory_space<hbm>> -> memref<1x32x128xi32, #tpu.memory_space<hbm>>
        %dma_wait3A_51 = tpu.memref_squeeze %dma_wait3A_50 : memref<1x32x128xi32, #tpu.memory_space<hbm>> -> memref<32x128xi32, #tpu.memory_space<hbm>>
        tpu.wait_dma2 semaphore(%run_scoped3A : memref<!tpu.dma_semaphore, #tpu.memory_space<semaphore_mem>>) src(%dma_wait3A_51 : memref<32x128xi32, #tpu.memory_space<hbm>>) dst(%arg8 : memref<32x128xi32, #tpu.memory_space<vmem>>)
        tpu.yield
      }) : () -> ()
      %dma_start3A = arith.constant 0 : i32
      %dma_start3A_30 = arith.constant 0 : i32
      %dma_start3A_31 = tpu.memref_slice %arg7[%dma_start3A, %dma_start3A_30] : memref<32x128xi32, #tpu.memory_space<vmem>> -> memref<1x128xi32, #tpu.memory_space<vmem>>
      %dma_start3A_32 = tpu.memref_squeeze %dma_start3A_31 : memref<1x128xi32, #tpu.memory_space<vmem>> -> memref<128xi32, #tpu.memory_space<vmem>>
      %dma_start3A_33 = arith.constant 0 : i32
      %dma_start3A_34 = arith.constant 0 : i32
      %dma_start3A_35 = tpu.memref_slice %arg2[%dma_start3A_33, %dma_start3A_34] : memref<20000x128xf32, #tpu.memory_space<hbm>> -> memref<20000x128xf32, #tpu.memory_space<hbm>>
      tpu.enqueue_indirect_dma source(%dma_start3A_35 : memref<20000x128xf32, #tpu.memory_space<hbm>>) target(%arg9 : memref<128x128xf32, #tpu.memory_space<vmem>>) offsets(%dma_start3A_32 : memref<128xi32, #tpu.memory_space<vmem>>) semaphore(%arg11 : memref<!tpu.dma_semaphore, #tpu.memory_space<semaphore_mem>>)
      %scan3A_36 = arith.constant 0 : i32
      %scan3A_37 = arith.constant 16 : i32
      %scan3A_38 = arith.addi %scan3A_36, %scan3A_37 : i32
      %scan3A_39 = arith.constant 1 : i32
      scf.for %scan3A_41 = %scan3A_36 to %scan3A_38 step %scan3A_39  : i32 {
        %mul3A_42 = arith.constant 1 : i32
        %mul3A_43 = arith.muli %scan3A_41, %mul3A_42 : i32
        %add3A_44 = arith.constant 0 : i32
        %add3A_45 = arith.addi %add3A_44, %mul3A_43 : i32
        %mul3A_46 = arith.constant 2 : i32
        %mul3A_47 = arith.muli %mul3A_46, %add3A_45 : i32
        %dma_wait3A = arith.constant 0 : i32
        %dma_wait3A_48 = tpu.memref_slice %arg7[%mul3A_47, %dma_wait3A] : memref<32x128xi32, #tpu.memory_space<vmem>> -> memref<1x128xi32, #tpu.memory_space<vmem>>
        %dma_wait3A_49 = tpu.memref_squeeze %dma_wait3A_48 : memref<1x128xi32, #tpu.memory_space<vmem>> -> memref<128xi32, #tpu.memory_space<vmem>>
        %dma_wait3A_50 = arith.constant 0 : i32
        %dma_wait3A_51 = arith.constant 0 : i32
        %dma_wait3A_52 = tpu.memref_slice %arg2[%dma_wait3A_50, %dma_wait3A_51] : memref<20000x128xf32, #tpu.memory_space<hbm>> -> memref<20000x128xf32, #tpu.memory_space<hbm>>
        tpu.wait_indirect_dma semaphore(%arg11 : memref<!tpu.dma_semaphore, #tpu.memory_space<semaphore_mem>>) src(%dma_wait3A_52 : memref<20000x128xf32, #tpu.memory_space<hbm>>) dst(%arg9 : memref<128x128xf32, #tpu.memory_space<vmem>>)
        %add3A_53 = arith.constant 1 : i32
        %add3A_54 = arith.addi %mul3A_47, %add3A_53 : i32
        %dma_start3A_55 = arith.constant 0 : i32
        %dma_start3A_56 = tpu.memref_slice %arg7[%add3A_54, %dma_start3A_55] : memref<32x128xi32, #tpu.memory_space<vmem>> -> memref<1x128xi32, #tpu.memory_space<vmem>>
        %dma_start3A_57 = tpu.memref_squeeze %dma_start3A_56 : memref<1x128xi32, #tpu.memory_space<vmem>> -> memref<128xi32, #tpu.memory_space<vmem>>
        %dma_start3A_58 = arith.constant 0 : i32
        %dma_start3A_59 = arith.constant 0 : i32
        %dma_start3A_60 = tpu.memref_slice %arg2[%dma_start3A_58, %dma_start3A_59] : memref<20000x128xf32, #tpu.memory_space<hbm>> -> memref<20000x128xf32, #tpu.memory_space<hbm>>
        tpu.enqueue_indirect_dma source(%dma_start3A_60 : memref<20000x128xf32, #tpu.memory_space<hbm>>) target(%arg10 : memref<128x128xf32, #tpu.memory_space<vmem>>) offsets(%dma_start3A_57 : memref<128xi32, #tpu.memory_space<vmem>>) semaphore(%arg12 : memref<!tpu.dma_semaphore, #tpu.memory_space<semaphore_mem>>)
        "tpu.region"() ({
          %run_scoped3A = tpu.sem_alloc : memref<!tpu.dma_semaphore, #tpu.memory_space<semaphore_mem>>
          %dma_start3A_73 = arith.constant 0 : i32
          %dma_start3A_74 = tpu.memref_slice %arg8[%mul3A_47, %dma_start3A_73] : memref<32x128xi32, #tpu.memory_space<vmem>> -> memref<1x128xi32, #tpu.memory_space<vmem>>
          %dma_start3A_75 = tpu.memref_squeeze %dma_start3A_74 : memref<1x128xi32, #tpu.memory_space<vmem>> -> memref<128xi32, #tpu.memory_space<vmem>>
          %dma_start3A_76 = arith.constant 0 : i32
          %dma_start3A_77 = arith.constant 0 : i32
          %dma_start3A_78 = tpu.memref_slice %arg13[%dma_start3A_76, %dma_start3A_77] : memref<10240x128xf32, #tpu.memory_space<vmem_shared>> -> memref<10240x128xf32, #tpu.memory_space<vmem_shared>>
          tpu.enqueue_indirect_dma source(%arg9 : memref<128x128xf32, #tpu.memory_space<vmem>>) target(%dma_start3A_78 : memref<10240x128xf32, #tpu.memory_space<vmem_shared>>) offsets(%dma_start3A_75 : memref<128xi32, #tpu.memory_space<vmem>>) semaphore(%run_scoped3A : memref<!tpu.dma_semaphore, #tpu.memory_space<semaphore_mem>>) {add = true}
          %dma_wait3A_79 = arith.constant 0 : i32
          %dma_wait3A_80 = tpu.memref_slice %arg8[%mul3A_47, %dma_wait3A_79] : memref<32x128xi32, #tpu.memory_space<vmem>> -> memref<1x128xi32, #tpu.memory_space<vmem>>
          %dma_wait3A_81 = tpu.memref_squeeze %dma_wait3A_80 : memref<1x128xi32, #tpu.memory_space<vmem>> -> memref<128xi32, #tpu.memory_space<vmem>>
          %dma_wait3A_82 = arith.constant 0 : i32
          %dma_wait3A_83 = arith.constant 0 : i32
          %dma_wait3A_84 = tpu.memref_slice %arg13[%dma_wait3A_82, %dma_wait3A_83] : memref<10240x128xf32, #tpu.memory_space<vmem_shared>> -> memref<10240x128xf32, #tpu.memory_space<vmem_shared>>
          tpu.wait_indirect_dma semaphore(%run_scoped3A : memref<!tpu.dma_semaphore, #tpu.memory_space<semaphore_mem>>) src(%arg9 : memref<128x128xf32, #tpu.memory_space<vmem>>) dst(%dma_wait3A_84 : memref<10240x128xf32, #tpu.memory_space<vmem_shared>>)
          tpu.yield
        }) : () -> ()
        %add3A_61 = arith.constant 1 : i32
        %add3A_62 = arith.addi %mul3A_47, %add3A_61 : i32
        %dma_wait3A_63 = arith.constant 0 : i32
        %dma_wait3A_64 = tpu.memref_slice %arg7[%add3A_62, %dma_wait3A_63] : memref<32x128xi32, #tpu.memory_space<vmem>> -> memref<1x128xi32, #tpu.memory_space<vmem>>
        %dma_wait3A_65 = tpu.memref_squeeze %dma_wait3A_64 : memref<1x128xi32, #tpu.memory_space<vmem>> -> memref<128xi32, #tpu.memory_space<vmem>>
        %dma_wait3A_66 = arith.constant 0 : i32
        %dma_wait3A_67 = arith.constant 0 : i32
        %dma_wait3A_68 = tpu.memref_slice %arg2[%dma_wait3A_66, %dma_wait3A_67] : memref<20000x128xf32, #tpu.memory_space<hbm>> -> memref<20000x128xf32, #tpu.memory_space<hbm>>
        tpu.wait_indirect_dma semaphore(%arg12 : memref<!tpu.dma_semaphore, #tpu.memory_space<semaphore_mem>>) src(%dma_wait3A_68 : memref<20000x128xf32, #tpu.memory_space<hbm>>) dst(%arg10 : memref<128x128xf32, #tpu.memory_space<vmem>>)
        %lt3A = arith.constant 15 : i32
        %lt3A_69 = arith.cmpi slt, %add3A_45, %lt3A : i32
        %convert_element_type3A = arith.extui %lt3A_69 : i1 to i32
        %cond3A = arith.constant 0 : i32
        %cond3A_70 = arith.cmpi ne, %convert_element_type3A, %cond3A : i32
        scf.if %cond3A_70 {
          %add3A_73 = arith.constant 2 : i32
          %add3A_74 = arith.addi %mul3A_47, %add3A_73 : i32
          %dma_start3A_75 = arith.constant 0 : i32
          %dma_start3A_76 = tpu.memref_slice %arg7[%add3A_74, %dma_start3A_75] : memref<32x128xi32, #tpu.memory_space<vmem>> -> memref<1x128xi32, #tpu.memory_space<vmem>>
          %dma_start3A_77 = tpu.memref_squeeze %dma_start3A_76 : memref<1x128xi32, #tpu.memory_space<vmem>> -> memref<128xi32, #tpu.memory_space<vmem>>
          %dma_start3A_78 = arith.constant 0 : i32
          %dma_start3A_79 = arith.constant 0 : i32
          %dma_start3A_80 = tpu.memref_slice %arg2[%dma_start3A_78, %dma_start3A_79] : memref<20000x128xf32, #tpu.memory_space<hbm>> -> memref<20000x128xf32, #tpu.memory_space<hbm>>
          tpu.enqueue_indirect_dma source(%dma_start3A_80 : memref<20000x128xf32, #tpu.memory_space<hbm>>) target(%arg9 : memref<128x128xf32, #tpu.memory_space<vmem>>) offsets(%dma_start3A_77 : memref<128xi32, #tpu.memory_space<vmem>>) semaphore(%arg11 : memref<!tpu.dma_semaphore, #tpu.memory_space<semaphore_mem>>)
        } else {
        }
        %add3A_71 = arith.constant 1 : i32
        %add3A_72 = arith.addi %mul3A_47, %add3A_71 : i32
        "tpu.region"() ({
          %run_scoped3A = tpu.sem_alloc : memref<!tpu.dma_semaphore, #tpu.memory_space<semaphore_mem>>
          %dma_start3A_73 = arith.constant 0 : i32
          %dma_start3A_74 = tpu.memref_slice %arg8[%add3A_72, %dma_start3A_73] : memref<32x128xi32, #tpu.memory_space<vmem>> -> memref<1x128xi32, #tpu.memory_space<vmem>>
          %dma_start3A_75 = tpu.memref_squeeze %dma_start3A_74 : memref<1x128xi32, #tpu.memory_space<vmem>> -> memref<128xi32, #tpu.memory_space<vmem>>
          %dma_start3A_76 = arith.constant 0 : i32
          %dma_start3A_77 = arith.constant 0 : i32
          %dma_start3A_78 = tpu.memref_slice %arg13[%dma_start3A_76, %dma_start3A_77] : memref<10240x128xf32, #tpu.memory_space<vmem_shared>> -> memref<10240x128xf32, #tpu.memory_space<vmem_shared>>
          tpu.enqueue_indirect_dma source(%arg10 : memref<128x128xf32, #tpu.memory_space<vmem>>) target(%dma_start3A_78 : memref<10240x128xf32, #tpu.memory_space<vmem_shared>>) offsets(%dma_start3A_75 : memref<128xi32, #tpu.memory_space<vmem>>) semaphore(%run_scoped3A : memref<!tpu.dma_semaphore, #tpu.memory_space<semaphore_mem>>) {add = true}
          %dma_wait3A_79 = arith.constant 0 : i32
          %dma_wait3A_80 = tpu.memref_slice %arg8[%add3A_72, %dma_wait3A_79] : memref<32x128xi32, #tpu.memory_space<vmem>> -> memref<1x128xi32, #tpu.memory_space<vmem>>
          %dma_wait3A_81 = tpu.memref_squeeze %dma_wait3A_80 : memref<1x128xi32, #tpu.memory_space<vmem>> -> memref<128xi32, #tpu.memory_space<vmem>>
          %dma_wait3A_82 = arith.constant 0 : i32
          %dma_wait3A_83 = arith.constant 0 : i32
          %dma_wait3A_84 = tpu.memref_slice %arg13[%dma_wait3A_82, %dma_wait3A_83] : memref<10240x128xf32, #tpu.memory_space<vmem_shared>> -> memref<10240x128xf32, #tpu.memory_space<vmem_shared>>
          tpu.wait_indirect_dma semaphore(%run_scoped3A : memref<!tpu.dma_semaphore, #tpu.memory_space<semaphore_mem>>) src(%arg10 : memref<128x128xf32, #tpu.memory_space<vmem>>) dst(%dma_wait3A_84 : memref<10240x128xf32, #tpu.memory_space<vmem_shared>>)
          tpu.yield
        }) : () -> ()
      }
      %scan3A_40 = arith.constant 16 : i32
    }
    %scan3A_9 = arith.constant 5 : i32
    %barrier3A_10 = arith.constant 0 : index
    tpu.barrier barrier_id(%barrier3A_10)
    %scan3A_11 = arith.constant 0 : i32
    %scan3A_12 = arith.constant 5 : i32
    %scan3A_13 = arith.addi %scan3A_11, %scan3A_12 : i32
    %scan3A_14 = arith.constant 1 : i32
    scf.for %scan3A_16 = %scan3A_11 to %scan3A_13 step %scan3A_14  : i32 {
      %mul3A_17 = arith.constant 1 : i32
      %mul3A_18 = arith.muli %scan3A_16, %mul3A_17 : i32
      %add3A = arith.constant 0 : i32
      %add3A_19 = arith.addi %add3A, %mul3A_18 : i32
      %mul3A_20 = arith.constant 128 : i32
      %mul3A_21 = arith.muli %add3A_19, %mul3A_20 : i32
      %add3A_22 = arith.addi %mul3A_0, %mul3A_21 : i32
      "tpu.region"() ({
        %run_scoped3A = tpu.sem_alloc : memref<!tpu.dma_semaphore, #tpu.memory_space<semaphore_mem>>
        %dma_start3A = arith.constant 0 : i32
        %dma_start3A_23 = tpu.memref_slice %arg6[%arg0, %add3A_22, %dma_start3A] : memref<2x10240x128xf32, #tpu.memory_space<hbm>> -> memref<1x128x128xf32, #tpu.memory_space<hbm>>
        %dma_start3A_24 = tpu.memref_squeeze %dma_start3A_23 : memref<1x128x128xf32, #tpu.memory_space<hbm>> -> memref<128x128xf32, #tpu.memory_space<hbm>>
        %dma_start3A_25 = arith.constant 0 : i32
        %dma_start3A_26 = tpu.memref_slice %arg13[%add3A_22, %dma_start3A_25] : memref<10240x128xf32, #tpu.memory_space<vmem_shared>> -> memref<128x128xf32, #tpu.memory_space<vmem_shared>>
        tpu.enqueue_dma source(%dma_start3A_26 : memref<128x128xf32, #tpu.memory_space<vmem_shared>>) target(%dma_start3A_24 : memref<128x128xf32, #tpu.memory_space<hbm>>) target_semaphore(%run_scoped3A : memref<!tpu.dma_semaphore, #tpu.memory_space<semaphore_mem>>)
        %dma_wait3A = arith.constant 0 : i32
        %dma_wait3A_27 = tpu.memref_slice %arg6[%arg0, %add3A_22, %dma_wait3A] : memref<2x10240x128xf32, #tpu.memory_space<hbm>> -> memref<1x128x128xf32, #tpu.memory_space<hbm>>
        %dma_wait3A_28 = tpu.memref_squeeze %dma_wait3A_27 : memref<1x128x128xf32, #tpu.memory_space<hbm>> -> memref<128x128xf32, #tpu.memory_space<hbm>>
        %dma_wait3A_29 = arith.constant 0 : i32
        %dma_wait3A_30 = tpu.memref_slice %arg13[%add3A_22, %dma_wait3A_29] : memref<10240x128xf32, #tpu.memory_space<vmem_shared>> -> memref<128x128xf32, #tpu.memory_space<vmem_shared>>
        tpu.wait_dma2 semaphore(%run_scoped3A : memref<!tpu.dma_semaphore, #tpu.memory_space<semaphore_mem>>) src(%dma_wait3A_30 : memref<128x128xf32, #tpu.memory_space<vmem_shared>>) dst(%dma_wait3A_28 : memref<128x128xf32, #tpu.memory_space<hbm>>)
        tpu.yield
      }) : () -> ()
    }
    %scan3A_15 = arith.constant 5 : i32
    return
  }
}

#map = affine_map<(d0, d1) -> (0, 0)>
#map1 = affine_map<(d0, d1) -> (0, 0, 0)>
module attributes {stable_mosaic.version = 14 : i64} {
  func.func @k(%arg0: i32, %arg1: i32, %arg2: memref<20000x128xf32, #tpu.memory_space<hbm>>, %arg3: memref<2x2560x128xi32, #tpu.memory_space<hbm>>, %arg4: memref<2x2560x128xi32, #tpu.memory_space<hbm>>, %arg5: memref<10240x128xf32, #tpu.memory_space<hbm>>, %arg6: memref<2x10240x128xf32, #tpu.memory_space<hbm>>, %arg7: memref<32x128xi32, #tpu.memory_space<vmem>>, %arg8: memref<32x128xi32, #tpu.memory_space<vmem>>, %arg9: memref<128x128xf32, #tpu.memory_space<vmem>>, %arg10: memref<128x128xf32, #tpu.memory_space<vmem>>, %arg11: memref<!tpu.dma_semaphore, #tpu.memory_space<semaphore_mem>>, %arg12: memref<!tpu.dma_semaphore, #tpu.memory_space<semaphore_mem>>, %arg13: memref<10240x128xf32, #tpu.memory_space<vmem_shared>>) attributes {dimension_semantics = [#tpu.dimension_semantics<core_parallel>, #tpu.dimension_semantics<subcore_parallel>], iteration_bounds = array<i64: 2, 16>, scalar_prefetch = 0 : i64, scratch_operands = 7 : i64, tpu.core_type = #tpu.core_type<sc_vector_subcore>, window_params = [{transform_indices = #map}, {transform_indices = #map1}, {transform_indices = #map1}, {transform_indices = #map}, {transform_indices = #map1}]} {
    %mul3A = arith.constant 640 : i32
    %mul3A_0 = arith.muli %arg1, %mul3A : i32
    %scan3A = arith.constant 0 : i32
    %scan3A_1 = arith.constant 5 : i32
    %scan3A_2 = arith.addi %scan3A, %scan3A_1 : i32
    %scan3A_3 = arith.constant 1 : i32
    scf.for %scan3A_16 = %scan3A to %scan3A_2 step %scan3A_3  : i32 {
      %mul3A_17 = arith.constant 1 : i32
      %mul3A_18 = arith.muli %scan3A_16, %mul3A_17 : i32
      %add3A = arith.constant 0 : i32
      %add3A_19 = arith.addi %add3A, %mul3A_18 : i32
      %mul3A_20 = arith.constant 128 : i32
      %mul3A_21 = arith.muli %add3A_19, %mul3A_20 : i32
      %add3A_22 = arith.addi %mul3A_0, %mul3A_21 : i32
      "tpu.region"() ({
        %run_scoped3A = tpu.sem_alloc : memref<!tpu.dma_semaphore, #tpu.memory_space<semaphore_mem>>
        %dma_start3A = arith.constant 0 : i32
        %dma_start3A_23 = tpu.memref_slice %arg13[%add3A_22, %dma_start3A] : memref<10240x128xf32, #tpu.memory_space<vmem_shared>> -> memref<128x128xf32, #tpu.memory_space<vmem_shared>>
        %dma_start3A_24 = arith.constant 0 : i32
        %dma_start3A_25 = tpu.memref_slice %arg5[%add3A_22, %dma_start3A_24] : memref<10240x128xf32, #tpu.memory_space<hbm>> -> memref<128x128xf32, #tpu.memory_space<hbm>>
        tpu.enqueue_dma source(%dma_start3A_25 : memref<128x128xf32, #tpu.memory_space<hbm>>) target(%dma_start3A_23 : memref<128x128xf32, #tpu.memory_space<vmem_shared>>) target_semaphore(%run_scoped3A : memref<!tpu.dma_semaphore, #tpu.memory_space<semaphore_mem>>)
        %dma_wait3A = arith.constant 0 : i32
        %dma_wait3A_26 = tpu.memref_slice %arg13[%add3A_22, %dma_wait3A] : memref<10240x128xf32, #tpu.memory_space<vmem_shared>> -> memref<128x128xf32, #tpu.memory_space<vmem_shared>>
        %dma_wait3A_27 = arith.constant 0 : i32
        %dma_wait3A_28 = tpu.memref_slice %arg5[%add3A_22, %dma_wait3A_27] : memref<10240x128xf32, #tpu.memory_space<hbm>> -> memref<128x128xf32, #tpu.memory_space<hbm>>
        tpu.wait_dma2 semaphore(%run_scoped3A : memref<!tpu.dma_semaphore, #tpu.memory_space<semaphore_mem>>) src(%dma_wait3A_28 : memref<128x128xf32, #tpu.memory_space<hbm>>) dst(%dma_wait3A_26 : memref<128x128xf32, #tpu.memory_space<vmem_shared>>)
        tpu.yield
      }) : () -> ()
    }
    %scan3A_4 = arith.constant 5 : i32
    %barrier3A = arith.constant 0 : index
    tpu.barrier barrier_id(%barrier3A)
    %scan3A_5 = arith.constant 0 : i32
    %scan3A_6 = arith.constant 5 : i32
    %scan3A_7 = arith.addi %scan3A_5, %scan3A_6 : i32
    %scan3A_8 = arith.constant 1 : i32
    scf.for %scan3A_16 = %scan3A_5 to %scan3A_7 step %scan3A_8  : i32 {
      %mul3A_17 = arith.constant 1 : i32
      %mul3A_18 = arith.muli %scan3A_16, %mul3A_17 : i32
      %add3A = arith.constant 0 : i32
      %add3A_19 = arith.addi %add3A, %mul3A_18 : i32
      %mul3A_20 = arith.constant 160 : i32
      %mul3A_21 = arith.muli %arg1, %mul3A_20 : i32
      %mul3A_22 = arith.constant 32 : i32
      %mul3A_23 = arith.muli %add3A_19, %mul3A_22 : i32
      %add3A_24 = arith.addi %mul3A_21, %mul3A_23 : i32
      "tpu.region"() ({
        %run_scoped3A = tpu.sem_alloc : memref<!tpu.dma_semaphore, #tpu.memory_space<semaphore_mem>>
        %dma_start3A_41 = arith.constant 0 : i32
        %dma_start3A_42 = tpu.memref_slice %arg3[%arg0, %add3A_24, %dma_start3A_41] : memref<2x2560x128xi32, #tpu.memory_space<hbm>> -> memref<1x32x128xi32, #tpu.memory_space<hbm>>
        %dma_start3A_43 = tpu.memref_squeeze %dma_start3A_42 : memref<1x32x128xi32, #tpu.memory_space<hbm>> -> memref<32x128xi32, #tpu.memory_space<hbm>>
        %dma_start3A_44 = arith.constant 0 : i32
        %dma_start3A_45 = tpu.memref_slice %arg3[%arg0, %add3A_24, %dma_start3A_44] : memref<2x2560x128xi32, #tpu.memory_space<hbm>> -> memref<1x32x128xi32, #tpu.memory_space<hbm>>
        %dma_start3A_46 = tpu.memref_squeeze %dma_start3A_45 : memref<1x32x128xi32, #tpu.memory_space<hbm>> -> memref<32x128xi32, #tpu.memory_space<hbm>>
        tpu.enqueue_dma source(%dma_start3A_46 : memref<32x128xi32, #tpu.memory_space<hbm>>) target(%arg7 : memref<32x128xi32, #tpu.memory_space<vmem>>) target_semaphore(%run_scoped3A : memref<!tpu.dma_semaphore, #tpu.memory_space<semaphore_mem>>)
        %dma_wait3A = arith.constant 0 : i32
        %dma_wait3A_47 = tpu.memref_slice %arg3[%arg0, %add3A_24, %dma_wait3A] : memref<2x2560x128xi32, #tpu.memory_space<hbm>> -> memref<1x32x128xi32, #tpu.memory_space<hbm>>
        %dma_wait3A_48 = tpu.memref_squeeze %dma_wait3A_47 : memref<1x32x128xi32, #tpu.memory_space<hbm>> -> memref<32x128xi32, #tpu.memory_space<hbm>>
        %dma_wait3A_49 = arith.constant 0 : i32
        %dma_wait3A_50 = tpu.memref_slice %arg3[%arg0, %add3A_24, %dma_wait3A_49] : memref<2x2560x128xi32, #tpu.memory_space<hbm>> -> memref<1x32x128xi32, #tpu.memory_space<hbm>>
        %dma_wait3A_51 = tpu.memref_squeeze %dma_wait3A_50 : memref<1x32x128xi32, #tpu.memory_space<hbm>> -> memref<32x128xi32, #tpu.memory_space<hbm>>
        tpu.wait_dma2 semaphore(%run_scoped3A : memref<!tpu.dma_semaphore, #tpu.memory_space<semaphore_mem>>) src(%dma_wait3A_51 : memref<32x128xi32, #tpu.memory_space<hbm>>) dst(%arg7 : memref<32x128xi32, #tpu.memory_space<vmem>>)
        tpu.yield
      }) : () -> ()
      %mul3A_25 = arith.constant 160 : i32
      %mul3A_26 = arith.muli %arg1, %mul3A_25 : i32
      %mul3A_27 = arith.constant 32 : i32
      %mul3A_28 = arith.muli %add3A_19, %mul3A_27 : i32
      %add3A_29 = arith.addi %mul3A_26, %mul3A_28 : i32
      "tpu.region"() ({
        %run_scoped3A = tpu.sem_alloc : memref<!tpu.dma_semaphore, #tpu.memory_space<semaphore_mem>>
        %dma_start3A_41 = arith.constant 0 : i32
        %dma_start3A_42 = tpu.memref_slice %arg4[%arg0, %add3A_29, %dma_start3A_41] : memref<2x2560x128xi32, #tpu.memory_space<hbm>> -> memref<1x32x128xi32, #tpu.memory_space<hbm>>
        %dma_start3A_43 = tpu.memref_squeeze %dma_start3A_42 : memref<1x32x128xi32, #tpu.memory_space<hbm>> -> memref<32x128xi32, #tpu.memory_space<hbm>>
        %dma_start3A_44 = arith.constant 0 : i32
        %dma_start3A_45 = tpu.memref_slice %arg4[%arg0, %add3A_29, %dma_start3A_44] : memref<2x2560x128xi32, #tpu.memory_space<hbm>> -> memref<1x32x128xi32, #tpu.memory_space<hbm>>
        %dma_start3A_46 = tpu.memref_squeeze %dma_start3A_45 : memref<1x32x128xi32, #tpu.memory_space<hbm>> -> memref<32x128xi32, #tpu.memory_space<hbm>>
        tpu.enqueue_dma source(%dma_start3A_46 : memref<32x128xi32, #tpu.memory_space<hbm>>) target(%arg8 : memref<32x128xi32, #tpu.memory_space<vmem>>) target_semaphore(%run_scoped3A : memref<!tpu.dma_semaphore, #tpu.memory_space<semaphore_mem>>)
        %dma_wait3A = arith.constant 0 : i32
        %dma_wait3A_47 = tpu.memref_slice %arg4[%arg0, %add3A_29, %dma_wait3A] : memref<2x2560x128xi32, #tpu.memory_space<hbm>> -> memref<1x32x128xi32, #tpu.memory_space<hbm>>
        %dma_wait3A_48 = tpu.memref_squeeze %dma_wait3A_47 : memref<1x32x128xi32, #tpu.memory_space<hbm>> -> memref<32x128xi32, #tpu.memory_space<hbm>>
        %dma_wait3A_49 = arith.constant 0 : i32
        %dma_wait3A_50 = tpu.memref_slice %arg4[%arg0, %add3A_29, %dma_wait3A_49] : memref<2x2560x128xi32, #tpu.memory_space<hbm>> -> memref<1x32x128xi32, #tpu.memory_space<hbm>>
        %dma_wait3A_51 = tpu.memref_squeeze %dma_wait3A_50 : memref<1x32x128xi32, #tpu.memory_space<hbm>> -> memref<32x128xi32, #tpu.memory_space<hbm>>
        tpu.wait_dma2 semaphore(%run_scoped3A : memref<!tpu.dma_semaphore, #tpu.memory_space<semaphore_mem>>) src(%dma_wait3A_51 : memref<32x128xi32, #tpu.memory_space<hbm>>) dst(%arg8 : memref<32x128xi32, #tpu.memory_space<vmem>>)
        tpu.yield
      }) : () -> ()
      %dma_start3A = arith.constant 0 : i32
      %dma_start3A_30 = arith.constant 0 : i32
      %dma_start3A_31 = tpu.memref_slice %arg7[%dma_start3A, %dma_start3A_30] : memref<32x128xi32, #tpu.memory_space<vmem>> -> memref<1x128xi32, #tpu.memory_space<vmem>>
      %dma_start3A_32 = tpu.memref_squeeze %dma_start3A_31 : memref<1x128xi32, #tpu.memory_space<vmem>> -> memref<128xi32, #tpu.memory_space<vmem>>
      %dma_start3A_33 = arith.constant 0 : i32
      %dma_start3A_34 = arith.constant 0 : i32
      %dma_start3A_35 = tpu.memref_slice %arg2[%dma_start3A_33, %dma_start3A_34] : memref<20000x128xf32, #tpu.memory_space<hbm>> -> memref<20000x128xf32, #tpu.memory_space<hbm>>
      tpu.enqueue_indirect_dma source(%dma_start3A_35 : memref<20000x128xf32, #tpu.memory_space<hbm>>) target(%arg9 : memref<128x128xf32, #tpu.memory_space<vmem>>) offsets(%dma_start3A_32 : memref<128xi32, #tpu.memory_space<vmem>>) semaphore(%arg11 : memref<!tpu.dma_semaphore, #tpu.memory_space<semaphore_mem>>)
      %scan3A_36 = arith.constant 0 : i32
      %scan3A_37 = arith.constant 16 : i32
      %scan3A_38 = arith.addi %scan3A_36, %scan3A_37 : i32
      %scan3A_39 = arith.constant 1 : i32
      scf.for %scan3A_41 = %scan3A_36 to %scan3A_38 step %scan3A_39  : i32 {
        %mul3A_42 = arith.constant 1 : i32
        %mul3A_43 = arith.muli %scan3A_41, %mul3A_42 : i32
        %add3A_44 = arith.constant 0 : i32
        %add3A_45 = arith.addi %add3A_44, %mul3A_43 : i32
        %mul3A_46 = arith.constant 2 : i32
        %mul3A_47 = arith.muli %mul3A_46, %add3A_45 : i32
        %dma_wait3A = arith.constant 0 : i32
        %dma_wait3A_48 = tpu.memref_slice %arg7[%mul3A_47, %dma_wait3A] : memref<32x128xi32, #tpu.memory_space<vmem>> -> memref<1x128xi32, #tpu.memory_space<vmem>>
        %dma_wait3A_49 = tpu.memref_squeeze %dma_wait3A_48 : memref<1x128xi32, #tpu.memory_space<vmem>> -> memref<128xi32, #tpu.memory_space<vmem>>
        %dma_wait3A_50 = arith.constant 0 : i32
        %dma_wait3A_51 = arith.constant 0 : i32
        %dma_wait3A_52 = tpu.memref_slice %arg2[%dma_wait3A_50, %dma_wait3A_51] : memref<20000x128xf32, #tpu.memory_space<hbm>> -> memref<20000x128xf32, #tpu.memory_space<hbm>>
        tpu.wait_indirect_dma semaphore(%arg11 : memref<!tpu.dma_semaphore, #tpu.memory_space<semaphore_mem>>) src(%dma_wait3A_52 : memref<20000x128xf32, #tpu.memory_space<hbm>>) dst(%arg9 : memref<128x128xf32, #tpu.memory_space<vmem>>)
        %add3A_53 = arith.constant 1 : i32
        %add3A_54 = arith.addi %mul3A_47, %add3A_53 : i32
        %dma_start3A_55 = arith.constant 0 : i32
        %dma_start3A_56 = tpu.memref_slice %arg7[%add3A_54, %dma_start3A_55] : memref<32x128xi32, #tpu.memory_space<vmem>> -> memref<1x128xi32, #tpu.memory_space<vmem>>
        %dma_start3A_57 = tpu.memref_squeeze %dma_start3A_56 : memref<1x128xi32, #tpu.memory_space<vmem>> -> memref<128xi32, #tpu.memory_space<vmem>>
        %dma_start3A_58 = arith.constant 0 : i32
        %dma_start3A_59 = arith.constant 0 : i32
        %dma_start3A_60 = tpu.memref_slice %arg2[%dma_start3A_58, %dma_start3A_59] : memref<20000x128xf32, #tpu.memory_space<hbm>> -> memref<20000x128xf32, #tpu.memory_space<hbm>>
        tpu.enqueue_indirect_dma source(%dma_start3A_60 : memref<20000x128xf32, #tpu.memory_space<hbm>>) target(%arg10 : memref<128x128xf32, #tpu.memory_space<vmem>>) offsets(%dma_start3A_57 : memref<128xi32, #tpu.memory_space<vmem>>) semaphore(%arg12 : memref<!tpu.dma_semaphore, #tpu.memory_space<semaphore_mem>>)
        "tpu.region"() ({
          %run_scoped3A = tpu.sem_alloc : memref<!tpu.dma_semaphore, #tpu.memory_space<semaphore_mem>>
          %dma_start3A_73 = arith.constant 0 : i32
          %dma_start3A_74 = tpu.memref_slice %arg8[%mul3A_47, %dma_start3A_73] : memref<32x128xi32, #tpu.memory_space<vmem>> -> memref<1x128xi32, #tpu.memory_space<vmem>>
          %dma_start3A_75 = tpu.memref_squeeze %dma_start3A_74 : memref<1x128xi32, #tpu.memory_space<vmem>> -> memref<128xi32, #tpu.memory_space<vmem>>
          %dma_start3A_76 = arith.constant 0 : i32
          %dma_start3A_77 = arith.constant 0 : i32
          %dma_start3A_78 = tpu.memref_slice %arg13[%dma_start3A_76, %dma_start3A_77] : memref<10240x128xf32, #tpu.memory_space<vmem_shared>> -> memref<10240x128xf32, #tpu.memory_space<vmem_shared>>
          tpu.enqueue_indirect_dma source(%arg9 : memref<128x128xf32, #tpu.memory_space<vmem>>) target(%dma_start3A_78 : memref<10240x128xf32, #tpu.memory_space<vmem_shared>>) offsets(%dma_start3A_75 : memref<128xi32, #tpu.memory_space<vmem>>) semaphore(%run_scoped3A : memref<!tpu.dma_semaphore, #tpu.memory_space<semaphore_mem>>) {add = true}
          %dma_wait3A_79 = arith.constant 0 : i32
          %dma_wait3A_80 = tpu.memref_slice %arg8[%mul3A_47, %dma_wait3A_79] : memref<32x128xi32, #tpu.memory_space<vmem>> -> memref<1x128xi32, #tpu.memory_space<vmem>>
          %dma_wait3A_81 = tpu.memref_squeeze %dma_wait3A_80 : memref<1x128xi32, #tpu.memory_space<vmem>> -> memref<128xi32, #tpu.memory_space<vmem>>
          %dma_wait3A_82 = arith.constant 0 : i32
          %dma_wait3A_83 = arith.constant 0 : i32
          %dma_wait3A_84 = tpu.memref_slice %arg13[%dma_wait3A_82, %dma_wait3A_83] : memref<10240x128xf32, #tpu.memory_space<vmem_shared>> -> memref<10240x128xf32, #tpu.memory_space<vmem_shared>>
          tpu.wait_indirect_dma semaphore(%run_scoped3A : memref<!tpu.dma_semaphore, #tpu.memory_space<semaphore_mem>>) src(%arg9 : memref<128x128xf32, #tpu.memory_space<vmem>>) dst(%dma_wait3A_84 : memref<10240x128xf32, #tpu.memory_space<vmem_shared>>)
          tpu.yield
        }) : () -> ()
        %add3A_61 = arith.constant 1 : i32
        %add3A_62 = arith.addi %mul3A_47, %add3A_61 : i32
        %dma_wait3A_63 = arith.constant 0 : i32
        %dma_wait3A_64 = tpu.memref_slice %arg7[%add3A_62, %dma_wait3A_63] : memref<32x128xi32, #tpu.memory_space<vmem>> -> memref<1x128xi32, #tpu.memory_space<vmem>>
        %dma_wait3A_65 = tpu.memref_squeeze %dma_wait3A_64 : memref<1x128xi32, #tpu.memory_space<vmem>> -> memref<128xi32, #tpu.memory_space<vmem>>
        %dma_wait3A_66 = arith.constant 0 : i32
        %dma_wait3A_67 = arith.constant 0 : i32
        %dma_wait3A_68 = tpu.memref_slice %arg2[%dma_wait3A_66, %dma_wait3A_67] : memref<20000x128xf32, #tpu.memory_space<hbm>> -> memref<20000x128xf32, #tpu.memory_space<hbm>>
        tpu.wait_indirect_dma semaphore(%arg12 : memref<!tpu.dma_semaphore, #tpu.memory_space<semaphore_mem>>) src(%dma_wait3A_68 : memref<20000x128xf32, #tpu.memory_space<hbm>>) dst(%arg10 : memref<128x128xf32, #tpu.memory_space<vmem>>)
        %lt3A = arith.constant 15 : i32
        %lt3A_69 = arith.cmpi slt, %add3A_45, %lt3A : i32
        %convert_element_type3A = arith.extui %lt3A_69 : i1 to i32
        %cond3A = arith.constant 0 : i32
        %cond3A_70 = arith.cmpi ne, %convert_element_type3A, %cond3A : i32
        scf.if %cond3A_70 {
          %add3A_73 = arith.constant 2 : i32
          %add3A_74 = arith.addi %mul3A_47, %add3A_73 : i32
          %dma_start3A_75 = arith.constant 0 : i32
          %dma_start3A_76 = tpu.memref_slice %arg7[%add3A_74, %dma_start3A_75] : memref<32x128xi32, #tpu.memory_space<vmem>> -> memref<1x128xi32, #tpu.memory_space<vmem>>
          %dma_start3A_77 = tpu.memref_squeeze %dma_start3A_76 : memref<1x128xi32, #tpu.memory_space<vmem>> -> memref<128xi32, #tpu.memory_space<vmem>>
          %dma_start3A_78 = arith.constant 0 : i32
          %dma_start3A_79 = arith.constant 0 : i32
          %dma_start3A_80 = tpu.memref_slice %arg2[%dma_start3A_78, %dma_start3A_79] : memref<20000x128xf32, #tpu.memory_space<hbm>> -> memref<20000x128xf32, #tpu.memory_space<hbm>>
          tpu.enqueue_indirect_dma source(%dma_start3A_80 : memref<20000x128xf32, #tpu.memory_space<hbm>>) target(%arg9 : memref<128x128xf32, #tpu.memory_space<vmem>>) offsets(%dma_start3A_77 : memref<128xi32, #tpu.memory_space<vmem>>) semaphore(%arg11 : memref<!tpu.dma_semaphore, #tpu.memory_space<semaphore_mem>>)
        } else {
        }
        %add3A_71 = arith.constant 1 : i32
        %add3A_72 = arith.addi %mul3A_47, %add3A_71 : i32
        "tpu.region"() ({
          %run_scoped3A = tpu.sem_alloc : memref<!tpu.dma_semaphore, #tpu.memory_space<semaphore_mem>>
          %dma_start3A_73 = arith.constant 0 : i32
          %dma_start3A_74 = tpu.memref_slice %arg8[%add3A_72, %dma_start3A_73] : memref<32x128xi32, #tpu.memory_space<vmem>> -> memref<1x128xi32, #tpu.memory_space<vmem>>
          %dma_start3A_75 = tpu.memref_squeeze %dma_start3A_74 : memref<1x128xi32, #tpu.memory_space<vmem>> -> memref<128xi32, #tpu.memory_space<vmem>>
          %dma_start3A_76 = arith.constant 0 : i32
          %dma_start3A_77 = arith.constant 0 : i32
          %dma_start3A_78 = tpu.memref_slice %arg13[%dma_start3A_76, %dma_start3A_77] : memref<10240x128xf32, #tpu.memory_space<vmem_shared>> -> memref<10240x128xf32, #tpu.memory_space<vmem_shared>>
          tpu.enqueue_indirect_dma source(%arg10 : memref<128x128xf32, #tpu.memory_space<vmem>>) target(%dma_start3A_78 : memref<10240x128xf32, #tpu.memory_space<vmem_shared>>) offsets(%dma_start3A_75 : memref<128xi32, #tpu.memory_space<vmem>>) semaphore(%run_scoped3A : memref<!tpu.dma_semaphore, #tpu.memory_space<semaphore_mem>>) {add = true}
          %dma_wait3A_79 = arith.constant 0 : i32
          %dma_wait3A_80 = tpu.memref_slice %arg8[%add3A_72, %dma_wait3A_79] : memref<32x128xi32, #tpu.memory_space<vmem>> -> memref<1x128xi32, #tpu.memory_space<vmem>>
          %dma_wait3A_81 = tpu.memref_squeeze %dma_wait3A_80 : memref<1x128xi32, #tpu.memory_space<vmem>> -> memref<128xi32, #tpu.memory_space<vmem>>
          %dma_wait3A_82 = arith.constant 0 : i32
          %dma_wait3A_83 = arith.constant 0 : i32
          %dma_wait3A_84 = tpu.memref_slice %arg13[%dma_wait3A_82, %dma_wait3A_83] : memref<10240x128xf32, #tpu.memory_space<vmem_shared>> -> memref<10240x128xf32, #tpu.memory_space<vmem_shared>>
          tpu.wait_indirect_dma semaphore(%run_scoped3A : memref<!tpu.dma_semaphore, #tpu.memory_space<semaphore_mem>>) src(%arg10 : memref<128x128xf32, #tpu.memory_space<vmem>>) dst(%dma_wait3A_84 : memref<10240x128xf32, #tpu.memory_space<vmem_shared>>)
          tpu.yield
        }) : () -> ()
      }
      %scan3A_40 = arith.constant 16 : i32
    }
    %scan3A_9 = arith.constant 5 : i32
    %barrier3A_10 = arith.constant 0 : index
    tpu.barrier barrier_id(%barrier3A_10)
    %scan3A_11 = arith.constant 0 : i32
    %scan3A_12 = arith.constant 5 : i32
    %scan3A_13 = arith.addi %scan3A_11, %scan3A_12 : i32
    %scan3A_14 = arith.constant 1 : i32
    scf.for %scan3A_16 = %scan3A_11 to %scan3A_13 step %scan3A_14  : i32 {
      %mul3A_17 = arith.constant 1 : i32
      %mul3A_18 = arith.muli %scan3A_16, %mul3A_17 : i32
      %add3A = arith.constant 0 : i32
      %add3A_19 = arith.addi %add3A, %mul3A_18 : i32
      %mul3A_20 = arith.constant 128 : i32
      %mul3A_21 = arith.muli %add3A_19, %mul3A_20 : i32
      %add3A_22 = arith.addi %mul3A_0, %mul3A_21 : i32
      "tpu.region"() ({
        %run_scoped3A = tpu.sem_alloc : memref<!tpu.dma_semaphore, #tpu.memory_space<semaphore_mem>>
        %dma_start3A = arith.constant 0 : i32
        %dma_start3A_23 = tpu.memref_slice %arg6[%arg0, %add3A_22, %dma_start3A] : memref<2x10240x128xf32, #tpu.memory_space<hbm>> -> memref<1x128x128xf32, #tpu.memory_space<hbm>>
        %dma_start3A_24 = tpu.memref_squeeze %dma_start3A_23 : memref<1x128x128xf32, #tpu.memory_space<hbm>> -> memref<128x128xf32, #tpu.memory_space<hbm>>
        %dma_start3A_25 = arith.constant 0 : i32
        %dma_start3A_26 = tpu.memref_slice %arg13[%add3A_22, %dma_start3A_25] : memref<10240x128xf32, #tpu.memory_space<vmem_shared>> -> memref<128x128xf32, #tpu.memory_space<vmem_shared>>
        tpu.enqueue_dma source(%dma_start3A_26 : memref<128x128xf32, #tpu.memory_space<vmem_shared>>) target(%dma_start3A_24 : memref<128x128xf32, #tpu.memory_space<hbm>>) target_semaphore(%run_scoped3A : memref<!tpu.dma_semaphore, #tpu.memory_space<semaphore_mem>>)
        %dma_wait3A = arith.constant 0 : i32
        %dma_wait3A_27 = tpu.memref_slice %arg6[%arg0, %add3A_22, %dma_wait3A] : memref<2x10240x128xf32, #tpu.memory_space<hbm>> -> memref<1x128x128xf32, #tpu.memory_space<hbm>>
        %dma_wait3A_28 = tpu.memref_squeeze %dma_wait3A_27 : memref<1x128x128xf32, #tpu.memory_space<hbm>> -> memref<128x128xf32, #tpu.memory_space<hbm>>
        %dma_wait3A_29 = arith.constant 0 : i32
        %dma_wait3A_30 = tpu.memref_slice %arg13[%add3A_22, %dma_wait3A_29] : memref<10240x128xf32, #tpu.memory_space<vmem_shared>> -> memref<128x128xf32, #tpu.memory_space<vmem_shared>>
        tpu.wait_dma2 semaphore(%run_scoped3A : memref<!tpu.dma_semaphore, #tpu.memory_space<semaphore_mem>>) src(%dma_wait3A_30 : memref<128x128xf32, #tpu.memory_space<vmem_shared>>) dst(%dma_wait3A_28 : memref<128x128xf32, #tpu.memory_space<hbm>>)
        tpu.yield
      }) : () -> ()
    }
    %scan3A_15 = arith.constant 5 : i32
    return
  }
}

#map = affine_map<(d0, d1) -> (0, 0, 0)>
#map1 = affine_map<(d0, d1) -> (0, 0)>
module attributes {stable_mosaic.version = 14 : i64} {
  func.func @k(%arg0: i32, %arg1: i32, %arg2: memref<2x2560x128xi32, #tpu.memory_space<hbm>>, %arg3: memref<10240x128xf32, #tpu.memory_space<hbm>>, %arg4: memref<128x128xf32, #tpu.memory_space<hbm>>, %arg5: memref<2x10240x128xf32, #tpu.memory_space<hbm>>, %arg6: memref<32x128xi32, #tpu.memory_space<vmem>>, %arg7: memref<128x128xf32, #tpu.memory_space<vmem>>, %arg8: memref<10240x128xf32, #tpu.memory_space<vmem_shared>>) attributes {dimension_semantics = [#tpu.dimension_semantics<core_parallel>, #tpu.dimension_semantics<subcore_parallel>], iteration_bounds = array<i64: 2, 16>, scalar_prefetch = 0 : i64, scratch_operands = 3 : i64, tpu.core_type = #tpu.core_type<sc_vector_subcore>, window_params = [{transform_indices = #map}, {transform_indices = #map1}, {transform_indices = #map1}, {transform_indices = #map}]} {
    %mul3A = arith.constant 640 : i32
    %mul3A_0 = arith.muli %arg1, %mul3A : i32
    %scan3A = arith.constant 0 : i32
    %scan3A_1 = arith.constant 5 : i32
    %scan3A_2 = arith.addi %scan3A, %scan3A_1 : i32
    %scan3A_3 = arith.constant 1 : i32
    scf.for %scan3A_16 = %scan3A to %scan3A_2 step %scan3A_3  : i32 {
      %mul3A_17 = arith.constant 1 : i32
      %mul3A_18 = arith.muli %scan3A_16, %mul3A_17 : i32
      %add3A = arith.constant 0 : i32
      %add3A_19 = arith.addi %add3A, %mul3A_18 : i32
      %mul3A_20 = arith.constant 128 : i32
      %mul3A_21 = arith.muli %add3A_19, %mul3A_20 : i32
      %add3A_22 = arith.addi %mul3A_0, %mul3A_21 : i32
      "tpu.region"() ({
        %run_scoped3A = tpu.sem_alloc : memref<!tpu.dma_semaphore, #tpu.memory_space<semaphore_mem>>
        %dma_start3A = arith.constant 0 : i32
        %dma_start3A_23 = tpu.memref_slice %arg8[%add3A_22, %dma_start3A] : memref<10240x128xf32, #tpu.memory_space<vmem_shared>> -> memref<128x128xf32, #tpu.memory_space<vmem_shared>>
        %dma_start3A_24 = arith.constant 0 : i32
        %dma_start3A_25 = tpu.memref_slice %arg3[%add3A_22, %dma_start3A_24] : memref<10240x128xf32, #tpu.memory_space<hbm>> -> memref<128x128xf32, #tpu.memory_space<hbm>>
        tpu.enqueue_dma source(%dma_start3A_25 : memref<128x128xf32, #tpu.memory_space<hbm>>) target(%dma_start3A_23 : memref<128x128xf32, #tpu.memory_space<vmem_shared>>) target_semaphore(%run_scoped3A : memref<!tpu.dma_semaphore, #tpu.memory_space<semaphore_mem>>)
        %dma_wait3A = arith.constant 0 : i32
        %dma_wait3A_26 = tpu.memref_slice %arg8[%add3A_22, %dma_wait3A] : memref<10240x128xf32, #tpu.memory_space<vmem_shared>> -> memref<128x128xf32, #tpu.memory_space<vmem_shared>>
        %dma_wait3A_27 = arith.constant 0 : i32
        %dma_wait3A_28 = tpu.memref_slice %arg3[%add3A_22, %dma_wait3A_27] : memref<10240x128xf32, #tpu.memory_space<hbm>> -> memref<128x128xf32, #tpu.memory_space<hbm>>
        tpu.wait_dma2 semaphore(%run_scoped3A : memref<!tpu.dma_semaphore, #tpu.memory_space<semaphore_mem>>) src(%dma_wait3A_28 : memref<128x128xf32, #tpu.memory_space<hbm>>) dst(%dma_wait3A_26 : memref<128x128xf32, #tpu.memory_space<vmem_shared>>)
        tpu.yield
      }) : () -> ()
    }
    %scan3A_4 = arith.constant 5 : i32
    "tpu.region"() ({
      %run_scoped3A = tpu.sem_alloc : memref<!tpu.dma_semaphore, #tpu.memory_space<semaphore_mem>>
      tpu.enqueue_dma source(%arg4 : memref<128x128xf32, #tpu.memory_space<hbm>>) target(%arg7 : memref<128x128xf32, #tpu.memory_space<vmem>>) target_semaphore(%run_scoped3A : memref<!tpu.dma_semaphore, #tpu.memory_space<semaphore_mem>>)
      tpu.wait_dma2 semaphore(%run_scoped3A : memref<!tpu.dma_semaphore, #tpu.memory_space<semaphore_mem>>) src(%arg4 : memref<128x128xf32, #tpu.memory_space<hbm>>) dst(%arg7 : memref<128x128xf32, #tpu.memory_space<vmem>>)
      tpu.yield
    }) : () -> ()
    %barrier3A = arith.constant 0 : index
    tpu.barrier barrier_id(%barrier3A)
    %scan3A_5 = arith.constant 0 : i32
    %scan3A_6 = arith.constant 5 : i32
    %scan3A_7 = arith.addi %scan3A_5, %scan3A_6 : i32
    %scan3A_8 = arith.constant 1 : i32
    scf.for %scan3A_16 = %scan3A_5 to %scan3A_7 step %scan3A_8  : i32 {
      %mul3A_17 = arith.constant 1 : i32
      %mul3A_18 = arith.muli %scan3A_16, %mul3A_17 : i32
      %add3A = arith.constant 0 : i32
      %add3A_19 = arith.addi %add3A, %mul3A_18 : i32
      %mul3A_20 = arith.constant 160 : i32
      %mul3A_21 = arith.muli %arg1, %mul3A_20 : i32
      %mul3A_22 = arith.constant 32 : i32
      %mul3A_23 = arith.muli %add3A_19, %mul3A_22 : i32
      %add3A_24 = arith.addi %mul3A_21, %mul3A_23 : i32
      "tpu.region"() ({
        %run_scoped3A = tpu.sem_alloc : memref<!tpu.dma_semaphore, #tpu.memory_space<semaphore_mem>>
        %dma_start3A = arith.constant 0 : i32
        %dma_start3A_30 = tpu.memref_slice %arg2[%arg0, %add3A_24, %dma_start3A] : memref<2x2560x128xi32, #tpu.memory_space<hbm>> -> memref<1x32x128xi32, #tpu.memory_space<hbm>>
        %dma_start3A_31 = tpu.memref_squeeze %dma_start3A_30 : memref<1x32x128xi32, #tpu.memory_space<hbm>> -> memref<32x128xi32, #tpu.memory_space<hbm>>
        %dma_start3A_32 = arith.constant 0 : i32
        %dma_start3A_33 = tpu.memref_slice %arg2[%arg0, %add3A_24, %dma_start3A_32] : memref<2x2560x128xi32, #tpu.memory_space<hbm>> -> memref<1x32x128xi32, #tpu.memory_space<hbm>>
        %dma_start3A_34 = tpu.memref_squeeze %dma_start3A_33 : memref<1x32x128xi32, #tpu.memory_space<hbm>> -> memref<32x128xi32, #tpu.memory_space<hbm>>
        tpu.enqueue_dma source(%dma_start3A_34 : memref<32x128xi32, #tpu.memory_space<hbm>>) target(%arg6 : memref<32x128xi32, #tpu.memory_space<vmem>>) target_semaphore(%run_scoped3A : memref<!tpu.dma_semaphore, #tpu.memory_space<semaphore_mem>>)
        %dma_wait3A = arith.constant 0 : i32
        %dma_wait3A_35 = tpu.memref_slice %arg2[%arg0, %add3A_24, %dma_wait3A] : memref<2x2560x128xi32, #tpu.memory_space<hbm>> -> memref<1x32x128xi32, #tpu.memory_space<hbm>>
        %dma_wait3A_36 = tpu.memref_squeeze %dma_wait3A_35 : memref<1x32x128xi32, #tpu.memory_space<hbm>> -> memref<32x128xi32, #tpu.memory_space<hbm>>
        %dma_wait3A_37 = arith.constant 0 : i32
        %dma_wait3A_38 = tpu.memref_slice %arg2[%arg0, %add3A_24, %dma_wait3A_37] : memref<2x2560x128xi32, #tpu.memory_space<hbm>> -> memref<1x32x128xi32, #tpu.memory_space<hbm>>
        %dma_wait3A_39 = tpu.memref_squeeze %dma_wait3A_38 : memref<1x32x128xi32, #tpu.memory_space<hbm>> -> memref<32x128xi32, #tpu.memory_space<hbm>>
        tpu.wait_dma2 semaphore(%run_scoped3A : memref<!tpu.dma_semaphore, #tpu.memory_space<semaphore_mem>>) src(%dma_wait3A_39 : memref<32x128xi32, #tpu.memory_space<hbm>>) dst(%arg6 : memref<32x128xi32, #tpu.memory_space<vmem>>)
        tpu.yield
      }) : () -> ()
      %scan3A_25 = arith.constant 0 : i32
      %scan3A_26 = arith.constant 32 : i32
      %scan3A_27 = arith.addi %scan3A_25, %scan3A_26 : i32
      %scan3A_28 = arith.constant 1 : i32
      scf.for %scan3A_30 = %scan3A_25 to %scan3A_27 step %scan3A_28  : i32 {
        %mul3A_31 = arith.constant 1 : i32
        %mul3A_32 = arith.muli %scan3A_30, %mul3A_31 : i32
        %add3A_33 = arith.constant 0 : i32
        %add3A_34 = arith.addi %add3A_33, %mul3A_32 : i32
        "tpu.region"() ({
          %run_scoped3A = tpu.sem_alloc : memref<!tpu.dma_semaphore, #tpu.memory_space<semaphore_mem>>
          %dma_start3A = arith.constant 0 : i32
          %dma_start3A_35 = tpu.memref_slice %arg6[%add3A_34, %dma_start3A] : memref<32x128xi32, #tpu.memory_space<vmem>> -> memref<1x128xi32, #tpu.memory_space<vmem>>
          %dma_start3A_36 = tpu.memref_squeeze %dma_start3A_35 : memref<1x128xi32, #tpu.memory_space<vmem>> -> memref<128xi32, #tpu.memory_space<vmem>>
          %dma_start3A_37 = arith.constant 0 : i32
          %dma_start3A_38 = arith.constant 0 : i32
          %dma_start3A_39 = tpu.memref_slice %arg8[%dma_start3A_37, %dma_start3A_38] : memref<10240x128xf32, #tpu.memory_space<vmem_shared>> -> memref<10240x128xf32, #tpu.memory_space<vmem_shared>>
          tpu.enqueue_indirect_dma source(%arg7 : memref<128x128xf32, #tpu.memory_space<vmem>>) target(%dma_start3A_39 : memref<10240x128xf32, #tpu.memory_space<vmem_shared>>) offsets(%dma_start3A_36 : memref<128xi32, #tpu.memory_space<vmem>>) semaphore(%run_scoped3A : memref<!tpu.dma_semaphore, #tpu.memory_space<semaphore_mem>>) {add = true}
          %dma_wait3A = arith.constant 0 : i32
          %dma_wait3A_40 = tpu.memref_slice %arg6[%add3A_34, %dma_wait3A] : memref<32x128xi32, #tpu.memory_space<vmem>> -> memref<1x128xi32, #tpu.memory_space<vmem>>
          %dma_wait3A_41 = tpu.memref_squeeze %dma_wait3A_40 : memref<1x128xi32, #tpu.memory_space<vmem>> -> memref<128xi32, #tpu.memory_space<vmem>>
          %dma_wait3A_42 = arith.constant 0 : i32
          %dma_wait3A_43 = arith.constant 0 : i32
          %dma_wait3A_44 = tpu.memref_slice %arg8[%dma_wait3A_42, %dma_wait3A_43] : memref<10240x128xf32, #tpu.memory_space<vmem_shared>> -> memref<10240x128xf32, #tpu.memory_space<vmem_shared>>
          tpu.wait_indirect_dma semaphore(%run_scoped3A : memref<!tpu.dma_semaphore, #tpu.memory_space<semaphore_mem>>) src(%arg7 : memref<128x128xf32, #tpu.memory_space<vmem>>) dst(%dma_wait3A_44 : memref<10240x128xf32, #tpu.memory_space<vmem_shared>>)
          tpu.yield
        }) : () -> ()
      }
      %scan3A_29 = arith.constant 32 : i32
    }
    %scan3A_9 = arith.constant 5 : i32
    %barrier3A_10 = arith.constant 0 : index
    tpu.barrier barrier_id(%barrier3A_10)
    %scan3A_11 = arith.constant 0 : i32
    %scan3A_12 = arith.constant 5 : i32
    %scan3A_13 = arith.addi %scan3A_11, %scan3A_12 : i32
    %scan3A_14 = arith.constant 1 : i32
    scf.for %scan3A_16 = %scan3A_11 to %scan3A_13 step %scan3A_14  : i32 {
      %mul3A_17 = arith.constant 1 : i32
      %mul3A_18 = arith.muli %scan3A_16, %mul3A_17 : i32
      %add3A = arith.constant 0 : i32
      %add3A_19 = arith.addi %add3A, %mul3A_18 : i32
      %mul3A_20 = arith.constant 128 : i32
      %mul3A_21 = arith.muli %add3A_19, %mul3A_20 : i32
      %add3A_22 = arith.addi %mul3A_0, %mul3A_21 : i32
      "tpu.region"() ({
        %run_scoped3A = tpu.sem_alloc : memref<!tpu.dma_semaphore, #tpu.memory_space<semaphore_mem>>
        %dma_start3A = arith.constant 0 : i32
        %dma_start3A_23 = tpu.memref_slice %arg5[%arg0, %add3A_22, %dma_start3A] : memref<2x10240x128xf32, #tpu.memory_space<hbm>> -> memref<1x128x128xf32, #tpu.memory_space<hbm>>
        %dma_start3A_24 = tpu.memref_squeeze %dma_start3A_23 : memref<1x128x128xf32, #tpu.memory_space<hbm>> -> memref<128x128xf32, #tpu.memory_space<hbm>>
        %dma_start3A_25 = arith.constant 0 : i32
        %dma_start3A_26 = tpu.memref_slice %arg8[%add3A_22, %dma_start3A_25] : memref<10240x128xf32, #tpu.memory_space<vmem_shared>> -> memref<128x128xf32, #tpu.memory_space<vmem_shared>>
        tpu.enqueue_dma source(%dma_start3A_26 : memref<128x128xf32, #tpu.memory_space<vmem_shared>>) target(%dma_start3A_24 : memref<128x128xf32, #tpu.memory_space<hbm>>) target_semaphore(%run_scoped3A : memref<!tpu.dma_semaphore, #tpu.memory_space<semaphore_mem>>)
        %dma_wait3A = arith.constant 0 : i32
        %dma_wait3A_27 = tpu.memref_slice %arg5[%arg0, %add3A_22, %dma_wait3A] : memref<2x10240x128xf32, #tpu.memory_space<hbm>> -> memref<1x128x128xf32, #tpu.memory_space<hbm>>
        %dma_wait3A_28 = tpu.memref_squeeze %dma_wait3A_27 : memref<1x128x128xf32, #tpu.memory_space<hbm>> -> memref<128x128xf32, #tpu.memory_space<hbm>>
        %dma_wait3A_29 = arith.constant 0 : i32
        %dma_wait3A_30 = tpu.memref_slice %arg8[%add3A_22, %dma_wait3A_29] : memref<10240x128xf32, #tpu.memory_space<vmem_shared>> -> memref<128x128xf32, #tpu.memory_space<vmem_shared>>
        tpu.wait_dma2 semaphore(%run_scoped3A : memref<!tpu.dma_semaphore, #tpu.memory_space<semaphore_mem>>) src(%dma_wait3A_30 : memref<128x128xf32, #tpu.memory_space<vmem_shared>>) dst(%dma_wait3A_28 : memref<128x128xf32, #tpu.memory_space<hbm>>)
        tpu.yield
      }) : () -> ()
    }
    %scan3A_15 = arith.constant 5 : i32
    return
  }
}

module attributes {stable_mosaic.version = 14 : i64} {
  func.func @body(%arg0: i32, %arg1: memref<1000x128xf32, #tpu.memory_space<vmem>>, %arg2: memref<2x1000x128xf32, #tpu.memory_space<vmem>>, %arg3: memref<2x1000x128xf32, #tpu.memory_space<vmem>>, %arg4: memref<128x128xf32, #tpu.memory_space<vmem>>, %arg5: memref<128x128xf32, #tpu.memory_space<vmem>>, %arg6: memref<1x128xf32, #tpu.memory_space<vmem>>, %arg7: memref<2x1000x128xf32, #tpu.memory_space<vmem>>) attributes {dimension_semantics = [#tpu.dimension_semantics<arbitrary>], iteration_bounds = array<i64: 10>, scalar_prefetch = 0 : i64, scratch_operands = 0 : i64, tpu.core_type = #tpu.core_type<tc>, window_params = [{transform_indices = @transform_0, window_bounds = array<i64: 1000, 128>}, {transform_indices = @transform_1, window_bounds = array<i64: 2, 1000, 128>}, {transform_indices = @transform_2, window_bounds = array<i64: 2, 1000, 128>}, {pipeline_mode = #tpu.pipeline_mode<synchronous>, transform_indices = @transform_3, window_bounds = array<i64: 128, 128>}, {pipeline_mode = #tpu.pipeline_mode<synchronous>, transform_indices = @transform_4, window_bounds = array<i64: 128, 128>}, {pipeline_mode = #tpu.pipeline_mode<synchronous>, transform_indices = @transform_5, window_bounds = array<i64: 1, 128>}, {transform_indices = @transform_6, window_bounds = array<i64: 2, 1000, 128>}]} {
    %get3A = arith.constant 0 : index
    %get3A_0 = arith.constant 0 : index
    %get3A_1 = vector.load %arg1[%get3A, %get3A_0] : memref<1000x128xf32, #tpu.memory_space<vmem>>, vector<1000x128xf32>
    %get3A_2 = arith.constant 0 : index
    %get3A_3 = arith.constant 0 : index
    %get3A_4 = arith.constant 0 : index
    %get3A_5 = vector.load %arg2[%get3A_2, %get3A_3, %get3A_4] : memref<2x1000x128xf32, #tpu.memory_space<vmem>>, vector<2x1000x128xf32>
    %get3A_6 = arith.constant 0 : index
    %get3A_7 = arith.constant 0 : index
    %get3A_8 = arith.constant 0 : index
    %get3A_9 = vector.load %arg3[%get3A_6, %get3A_7, %get3A_8] : memref<2x1000x128xf32, #tpu.memory_space<vmem>>, vector<2x1000x128xf32>
    %get3A_10 = arith.constant 0 : index
    %get3A_11 = arith.constant 0 : index
    %get3A_12 = vector.load %arg4[%get3A_10, %get3A_11] : memref<128x128xf32, #tpu.memory_space<vmem>>, vector<128x128xf32>
    %get3A_13 = arith.constant 0 : index
    %get3A_14 = arith.constant 0 : index
    %get3A_15 = vector.load %arg5[%get3A_13, %get3A_14] : memref<128x128xf32, #tpu.memory_space<vmem>>, vector<128x128xf32>
    %get3A_16 = arith.constant 0 : index
    %get3A_17 = arith.constant 0 : index
    %get3A_18 = vector.load %arg6[%get3A_16, %get3A_17] : memref<1x128xf32, #tpu.memory_space<vmem>>, vector<1x128xf32>
    %dot_general3A = arith.constant dense<0.000000e+00> : vector<1000x128xf32>
    %dot_general3A_19 = tpu.matmul %get3A_1, %get3A_12, %dot_general3A {dimension_numbers = #tpu.dot_dimension_numbers<[1], [0], [0], [1], [0, 0, 1, 1], [], []>, transpose_lhs_hint = false} : vector<1000x128xf32>, vector<128x128xf32>, vector<1000x128xf32> -> vector<1000x128xf32>
    %slice3A = vector.extract_strided_slice %get3A_5 {offsets = [0, 0, 0], sizes = [1, 1000, 128], strides = [1, 1, 1]} : vector<2x1000x128xf32> to vector<1x1000x128xf32>
    %squeeze3A = vector.shape_cast %slice3A : vector<1x1000x128xf32> to vector<1000x128xf32>
    %slice3A_20 = vector.extract_strided_slice %get3A_9 {offsets = [0, 0, 0], sizes = [1, 1000, 1], strides = [1, 1, 1]} : vector<2x1000x128xf32> to vector<1x1000x1xf32>
    %squeeze3A_21 = vector.shape_cast %slice3A_20 : vector<1x1000x1xf32> to vector<1000x1xf32>
    %max3A = arith.constant 1.000000e+00 : f32
    %max3A_22 = vector.broadcast %max3A : f32 to vector<1000x1xf32>
    %max3A_23 = arith.maximumf %squeeze3A_21, %max3A_22 : vector<1000x1xf32>
    %div3A = vector.broadcast %max3A_23 : vector<1000x1xf32> to vector<1000x128xf32>
    %div3A_24 = arith.divf %squeeze3A, %div3A : vector<1000x128xf32>
    %dot_general3A_25 = arith.constant dense<0.000000e+00> : vector<1000x128xf32>
    %dot_general3A_26 = tpu.matmul %div3A_24, %get3A_15, %dot_general3A_25 {dimension_numbers = #tpu.dot_dimension_numbers<[1], [0], [0], [1], [0, 0, 1, 1], [], []>, transpose_lhs_hint = false} : vector<1000x128xf32>, vector<128x128xf32>, vector<1000x128xf32> -> vector<1000x128xf32>
    %add3A = arith.addf %dot_general3A_19, %dot_general3A_26 : vector<1000x128xf32>
    %add3A_27 = vector.broadcast %get3A_18 : vector<1x128xf32> to vector<1000x128xf32>
    %add3A_28 = arith.addf %add3A, %add3A_27 : vector<1000x128xf32>
    %slice3A_29 = vector.extract_strided_slice %get3A_5 {offsets = [1, 0, 0], sizes = [1, 1000, 128], strides = [1, 1, 1]} : vector<2x1000x128xf32> to vector<1x1000x128xf32>
    %squeeze3A_30 = vector.shape_cast %slice3A_29 : vector<1x1000x128xf32> to vector<1000x128xf32>
    %slice3A_31 = vector.extract_strided_slice %get3A_9 {offsets = [1, 0, 0], sizes = [1, 1000, 1], strides = [1, 1, 1]} : vector<2x1000x128xf32> to vector<1x1000x1xf32>
    %squeeze3A_32 = vector.shape_cast %slice3A_31 : vector<1x1000x1xf32> to vector<1000x1xf32>
    %max3A_33 = arith.constant 1.000000e+00 : f32
    %max3A_34 = vector.broadcast %max3A_33 : f32 to vector<1000x1xf32>
    %max3A_35 = arith.maximumf %squeeze3A_32, %max3A_34 : vector<1000x1xf32>
    %div3A_36 = vector.broadcast %max3A_35 : vector<1000x1xf32> to vector<1000x128xf32>
    %div3A_37 = arith.divf %squeeze3A_30, %div3A_36 : vector<1000x128xf32>
    %dot_general3A_38 = arith.constant dense<0.000000e+00> : vector<1000x128xf32>
    %dot_general3A_39 = tpu.matmul %div3A_37, %get3A_15, %dot_general3A_38 {dimension_numbers = #tpu.dot_dimension_numbers<[1], [0], [0], [1], [0, 0, 1, 1], [], []>, transpose_lhs_hint = false} : vector<1000x128xf32>, vector<128x128xf32>, vector<1000x128xf32> -> vector<1000x128xf32>
    %add3A_40 = arith.addf %dot_general3A_19, %dot_general3A_39 : vector<1000x128xf32>
    %add3A_41 = vector.broadcast %get3A_18 : vector<1x128xf32> to vector<1000x128xf32>
    %add3A_42 = arith.addf %add3A_40, %add3A_41 : vector<1000x128xf32>
    %stack3A = vector.shape_cast %add3A_28 : vector<1000x128xf32> to vector<1x1000x128xf32>
    %stack3A_43 = vector.shape_cast %add3A_42 : vector<1000x128xf32> to vector<1x1000x128xf32>
    %stack3A_44 = tpu.concatenate %stack3A, %stack3A_43 in 0 : vector<1x1000x128xf32>, vector<1x1000x128xf32> -> vector<2x1000x128xf32>
    %swap3A = arith.constant 0 : index
    %swap3A_45 = arith.constant 0 : index
    %swap3A_46 = arith.constant 0 : index
    %swap3A_47 = vector.load %arg7[%swap3A, %swap3A_45, %swap3A_46] : memref<2x1000x128xf32, #tpu.memory_space<vmem>>, vector<2x1000x128xf32>
    tpu.vector_store %arg7[%swap3A, %swap3A_45, %swap3A_46], %stack3A_44 {strides = array<i32>} : memref<2x1000x128xf32, #tpu.memory_space<vmem>>, vector<2x1000x128xf32>,
    return
  }
  func.func @transform_0(%arg0: i32) -> (i32, i32) {
    %c0_i32 = arith.constant 0 : i32
    %c0_i32_0 = arith.constant 0 : i32
    return %arg0, %c0_i32 : i32, i32
  }
  func.func @transform_1(%arg0: i32) -> (i32, i32, i32) {
    %c0_i32 = arith.constant 0 : i32
    %c0_i32_0 = arith.constant 0 : i32
    %c0_i32_1 = arith.constant 0 : i32
    return %c0_i32, %arg0, %c0_i32_0 : i32, i32, i32
  }
  func.func @transform_2(%arg0: i32) -> (i32, i32, i32) {
    %c0_i32 = arith.constant 0 : i32
    %c0_i32_0 = arith.constant 0 : i32
    %c0_i32_1 = arith.constant 0 : i32
    return %c0_i32, %arg0, %c0_i32_0 : i32, i32, i32
  }
  func.func @transform_3(%arg0: i32) -> (i32, i32) {
    %c0_i32 = arith.constant 0 : i32
    %c0_i32_0 = arith.constant 0 : i32
    %c0_i32_1 = arith.constant 0 : i32
    return %c0_i32, %c0_i32_0 : i32, i32
  }
  func.func @transform_4(%arg0: i32) -> (i32, i32) {
    %c0_i32 = arith.constant 0 : i32
    %c0_i32_0 = arith.constant 0 : i32
    %c0_i32_1 = arith.constant 0 : i32
    return %c0_i32, %c0_i32_0 : i32, i32
  }
  func.func @transform_5(%arg0: i32) -> (i32, i32) {
    %c0_i32 = arith.constant 0 : i32
    %c0_i32_0 = arith.constant 0 : i32
    %c0_i32_1 = arith.constant 0 : i32
    return %c0_i32, %c0_i32_0 : i32, i32
  }
  func.func @transform_6(%arg0: i32) -> (i32, i32, i32) {
    %c0_i32 = arith.constant 0 : i32
    %c0_i32_0 = arith.constant 0 : i32
    %c0_i32_1 = arith.constant 0 : i32
    return %c0_i32, %arg0, %c0_i32_0 : i32, i32, i32
  }
}

module attributes {stable_mosaic.version = 14 : i64} {
  func.func @body(%arg0: i32, %arg1: memref<2x1000x128xf32, #tpu.memory_space<vmem>>, %arg2: memref<2x1000x128xf32, #tpu.memory_space<vmem>>, %arg3: memref<2x1000x128xf32, #tpu.memory_space<vmem>>, %arg4: memref<128x128xf32, #tpu.memory_space<vmem>>, %arg5: memref<128x128xf32, #tpu.memory_space<vmem>>, %arg6: memref<1x128xf32, #tpu.memory_space<vmem>>, %arg7: memref<128x128xf32, #tpu.memory_space<vmem>>, %arg8: memref<1x128xf32, #tpu.memory_space<vmem>>, %arg9: memref<128x1024xf32, #tpu.memory_space<vmem>>, %arg10: memref<1x1024xf32, #tpu.memory_space<vmem>>, %arg11: memref<1000x128xf32, #tpu.memory_space<vmem>>, %arg12: memref<1000x2xf32, #tpu.memory_space<vmem>>, %arg13: memref<2x1024xf32, #tpu.memory_space<vmem>>, %arg14: memref<2x1024xf32, #tpu.memory_space<vmem>>) attributes {dimension_semantics = [#tpu.dimension_semantics<arbitrary>], iteration_bounds = array<i64: 10>, scalar_prefetch = 0 : i64, scratch_operands = 1 : i64, tpu.core_type = #tpu.core_type<tc>, window_params = [{transform_indices = @transform_0, window_bounds = array<i64: 2, 1000, 128>}, {transform_indices = @transform_1, window_bounds = array<i64: 2, 1000, 128>}, {transform_indices = @transform_2, window_bounds = array<i64: 2, 1000, 128>}, {pipeline_mode = #tpu.pipeline_mode<synchronous>, transform_indices = @transform_3, window_bounds = array<i64: 128, 128>}, {pipeline_mode = #tpu.pipeline_mode<synchronous>, transform_indices = @transform_4, window_bounds = array<i64: 128, 128>}, {pipeline_mode = #tpu.pipeline_mode<synchronous>, transform_indices = @transform_5, window_bounds = array<i64: 1, 128>}, {pipeline_mode = #tpu.pipeline_mode<synchronous>, transform_indices = @transform_6, window_bounds = array<i64: 128, 128>}, {pipeline_mode = #tpu.pipeline_mode<synchronous>, transform_indices = @transform_7, window_bounds = array<i64: 1, 128>}, {pipeline_mode = #tpu.pipeline_mode<synchronous>, transform_indices = @transform_8, window_bounds = array<i64: 128, 1024>}, {pipeline_mode = #tpu.pipeline_mode<synchronous>, transform_indices = @transform_9, window_bounds = array<i64: 1, 1024>}, {transform_indices = @transform_10, window_bounds = array<i64: 1000, 128>}, {transform_indices = @transform_11, window_bounds = array<i64: 1000, 2>}, {pipeline_mode = #tpu.pipeline_mode<synchronous>, transform_indices = @transform_12, window_bounds = array<i64: 2, 1024>}]} {
    %eq3A = arith.constant 0 : i32
    %eq3A_0 = arith.cmpi eq, %arg0, %eq3A : i32
    %convert_element_type3A = arith.extui %eq3A_0 : i1 to i32
    %cond3A = arith.constant 0 : i32
    %cond3A_1 = arith.cmpi ne, %convert_element_type3A, %cond3A : i32
    scf.if %cond3A_1 {
      %broadcast_in_dim3A_138 = arith.constant 0.000000e+00 : f32
      %broadcast_in_dim3A_139 = vector.broadcast %broadcast_in_dim3A_138 : f32 to vector<2x1024xf32>
      %swap3A_140 = arith.constant 0 : index
      %swap3A_141 = arith.constant 0 : index
      %swap3A_142 = vector.load %arg14[%swap3A_140, %swap3A_141] : memref<2x1024xf32, #tpu.memory_space<vmem>>, vector<2x1024xf32>
      tpu.vector_store %arg14[%swap3A_140, %swap3A_141], %broadcast_in_dim3A_139 {strides = array<i32>} : memref<2x1024xf32, #tpu.memory_space<vmem>>, vector<2x1024xf32>,
    } else {
    }
    %get3A = arith.constant 0 : index
    %get3A_2 = arith.constant 0 : index
    %get3A_3 = arith.constant 0 : index
    %get3A_4 = vector.load %arg1[%get3A, %get3A_2, %get3A_3] : memref<2x1000x128xf32, #tpu.memory_space<vmem>>, vector<2x1000x128xf32>
    %get3A_5 = arith.constant 0 : index
    %get3A_6 = arith.constant 0 : index
    %get3A_7 = arith.constant 0 : index
    %get3A_8 = vector.load %arg2[%get3A_5, %get3A_6, %get3A_7] : memref<2x1000x128xf32, #tpu.memory_space<vmem>>, vector<2x1000x128xf32>
    %get3A_9 = arith.constant 0 : index
    %get3A_10 = arith.constant 0 : index
    %get3A_11 = arith.constant 0 : index
    %get3A_12 = vector.load %arg3[%get3A_9, %get3A_10, %get3A_11] : memref<2x1000x128xf32, #tpu.memory_space<vmem>>, vector<2x1000x128xf32>
    %get3A_13 = arith.constant 0 : index
    %get3A_14 = arith.constant 0 : index
    %get3A_15 = vector.load %arg4[%get3A_13, %get3A_14] : memref<128x128xf32, #tpu.memory_space<vmem>>, vector<128x128xf32>
    %get3A_16 = arith.constant 0 : index
    %get3A_17 = arith.constant 0 : index
    %get3A_18 = vector.load %arg5[%get3A_16, %get3A_17] : memref<128x128xf32, #tpu.memory_space<vmem>>, vector<128x128xf32>
    %get3A_19 = arith.constant 0 : index
    %get3A_20 = arith.constant 0 : index
    %get3A_21 = vector.load %arg6[%get3A_19, %get3A_20] : memref<1x128xf32, #tpu.memory_space<vmem>>, vector<1x128xf32>
    %slice3A = vector.extract_strided_slice %get3A_8 {offsets = [0, 0, 0], sizes = [1, 1000, 128], strides = [1, 1, 1]} : vector<2x1000x128xf32> to vector<1x1000x128xf32>
    %squeeze3A = vector.shape_cast %slice3A : vector<1x1000x128xf32> to vector<1000x128xf32>
    %slice3A_22 = vector.extract_strided_slice %get3A_12 {offsets = [0, 0, 0], sizes = [1, 1000, 1], strides = [1, 1, 1]} : vector<2x1000x128xf32> to vector<1x1000x1xf32>
    %squeeze3A_23 = vector.shape_cast %slice3A_22 : vector<1x1000x1xf32> to vector<1000x1xf32>
    %max3A = arith.constant 1.000000e+00 : f32
    %max3A_24 = vector.broadcast %max3A : f32 to vector<1000x1xf32>
    %max3A_25 = arith.maximumf %squeeze3A_23, %max3A_24 : vector<1000x1xf32>
    %div3A = vector.broadcast %max3A_25 : vector<1000x1xf32> to vector<1000x128xf32>
    %div3A_26 = arith.divf %squeeze3A, %div3A : vector<1000x128xf32>
    %slice3A_27 = vector.extract_strided_slice %get3A_4 {offsets = [0, 0, 0], sizes = [1, 1000, 128], strides = [1, 1, 1]} : vector<2x1000x128xf32> to vector<1x1000x128xf32>
    %squeeze3A_28 = vector.shape_cast %slice3A_27 : vector<1x1000x128xf32> to vector<1000x128xf32>
    %dot_general3A = arith.constant dense<0.000000e+00> : vector<1000x128xf32>
    %dot_general3A_29 = tpu.matmul %squeeze3A_28, %get3A_15, %dot_general3A {dimension_numbers = #tpu.dot_dimension_numbers<[1], [0], [0], [1], [0, 0, 1, 1], [], []>, transpose_lhs_hint = false} : vector<1000x128xf32>, vector<128x128xf32>, vector<1000x128xf32> -> vector<1000x128xf32>
    %dot_general3A_30 = arith.constant dense<0.000000e+00> : vector<1000x128xf32>
    %dot_general3A_31 = tpu.matmul %div3A_26, %get3A_18, %dot_general3A_30 {dimension_numbers = #tpu.dot_dimension_numbers<[1], [0], [0], [1], [0, 0, 1, 1], [], []>, transpose_lhs_hint = false} : vector<1000x128xf32>, vector<128x128xf32>, vector<1000x128xf32> -> vector<1000x128xf32>
    %add3A = arith.addf %dot_general3A_29, %dot_general3A_31 : vector<1000x128xf32>
    %add3A_32 = vector.broadcast %get3A_21 : vector<1x128xf32> to vector<1000x128xf32>
    %add3A_33 = arith.addf %add3A, %add3A_32 : vector<1000x128xf32>
    %slice3A_34 = vector.extract_strided_slice %get3A_4 {offsets = [0, 0, 0], sizes = [1, 1000, 128], strides = [1, 1, 1]} : vector<2x1000x128xf32> to vector<1x1000x128xf32>
    %squeeze3A_35 = vector.shape_cast %slice3A_34 : vector<1x1000x128xf32> to vector<1000x128xf32>
    %add3A_36 = arith.addf %add3A_33, %squeeze3A_35 : vector<1000x128xf32>
    %slice3A_37 = vector.extract_strided_slice %get3A_8 {offsets = [1, 0, 0], sizes = [1, 1000, 128], strides = [1, 1, 1]} : vector<2x1000x128xf32> to vector<1x1000x128xf32>
    %squeeze3A_38 = vector.shape_cast %slice3A_37 : vector<1x1000x128xf32> to vector<1000x128xf32>
    %slice3A_39 = vector.extract_strided_slice %get3A_12 {offsets = [1, 0, 0], sizes = [1, 1000, 1], strides = [1, 1, 1]} : vector<2x1000x128xf32> to vector<1x1000x1xf32>
    %squeeze3A_40 = vector.shape_cast %slice3A_39 : vector<1x1000x1xf32> to vector<1000x1xf32>
    %max3A_41 = arith.constant 1.000000e+00 : f32
    %max3A_42 = vector.broadcast %max3A_41 : f32 to vector<1000x1xf32>
    %max3A_43 = arith.maximumf %squeeze3A_40, %max3A_42 : vector<1000x1xf32>
    %div3A_44 = vector.broadcast %max3A_43 : vector<1000x1xf32> to vector<1000x128xf32>
    %div3A_45 = arith.divf %squeeze3A_38, %div3A_44 : vector<1000x128xf32>
    %slice3A_46 = vector.extract_strided_slice %get3A_4 {offsets = [1, 0, 0], sizes = [1, 1000, 128], strides = [1, 1, 1]} : vector<2x1000x128xf32> to vector<1x1000x128xf32>
    %squeeze3A_47 = vector.shape_cast %slice3A_46 : vector<1x1000x128xf32> to vector<1000x128xf32>
    %dot_general3A_48 = arith.constant dense<0.000000e+00> : vector<1000x128xf32>
    %dot_general3A_49 = tpu.matmul %squeeze3A_47, %get3A_15, %dot_general3A_48 {dimension_numbers = #tpu.dot_dimension_numbers<[1], [0], [0], [1], [0, 0, 1, 1], [], []>, transpose_lhs_hint = false} : vector<1000x128xf32>, vector<128x128xf32>, vector<1000x128xf32> -> vector<1000x128xf32>
    %dot_general3A_50 = arith.constant dense<0.000000e+00> : vector<1000x128xf32>
    %dot_general3A_51 = tpu.matmul %div3A_45, %get3A_18, %dot_general3A_50 {dimension_numbers = #tpu.dot_dimension_numbers<[1], [0], [0], [1], [0, 0, 1, 1], [], []>, transpose_lhs_hint = false} : vector<1000x128xf32>, vector<128x128xf32>, vector<1000x128xf32> -> vector<1000x128xf32>
    %add3A_52 = arith.addf %dot_general3A_49, %dot_general3A_51 : vector<1000x128xf32>
    %add3A_53 = vector.broadcast %get3A_21 : vector<1x128xf32> to vector<1000x128xf32>
    %add3A_54 = arith.addf %add3A_52, %add3A_53 : vector<1000x128xf32>
    %slice3A_55 = vector.extract_strided_slice %get3A_4 {offsets = [1, 0, 0], sizes = [1, 1000, 128], strides = [1, 1, 1]} : vector<2x1000x128xf32> to vector<1x1000x128xf32>
    %squeeze3A_56 = vector.shape_cast %slice3A_55 : vector<1x1000x128xf32> to vector<1000x128xf32>
    %add3A_57 = arith.addf %add3A_54, %squeeze3A_56 : vector<1000x128xf32>
    %get3A_58 = arith.constant 0 : index
    %get3A_59 = arith.constant 0 : index
    %get3A_60 = vector.load %arg7[%get3A_58, %get3A_59] : memref<128x128xf32, #tpu.memory_space<vmem>>, vector<128x128xf32>
    %get3A_61 = arith.constant 0 : index
    %get3A_62 = arith.constant 0 : index
    %get3A_63 = vector.load %arg8[%get3A_61, %get3A_62] : memref<1x128xf32, #tpu.memory_space<vmem>>, vector<1x128xf32>
    %dot_general3A_64 = arith.constant dense<0.000000e+00> : vector<1000x128xf32>
    %dot_general3A_65 = tpu.matmul %add3A_36, %get3A_60, %dot_general3A_64 {dimension_numbers = #tpu.dot_dimension_numbers<[1], [0], [0], [1], [0, 0, 1, 1], [], []>, transpose_lhs_hint = false} : vector<1000x128xf32>, vector<128x128xf32>, vector<1000x128xf32> -> vector<1000x128xf32>
    %tanh3A = math.tanh %dot_general3A_65 : vector<1000x128xf32>
    %dot_general3A_66 = arith.constant dense<0.000000e+00> : vector<1000x128xf32>
    %dot_general3A_67 = tpu.matmul %add3A_57, %get3A_60, %dot_general3A_66 {dimension_numbers = #tpu.dot_dimension_numbers<[1], [0], [0], [1], [0, 0, 1, 1], [], []>, transpose_lhs_hint = false} : vector<1000x128xf32>, vector<128x128xf32>, vector<1000x128xf32> -> vector<1000x128xf32>
    %tanh3A_68 = math.tanh %dot_general3A_67 : vector<1000x128xf32>
    %mul3A = vector.broadcast %get3A_63 : vector<1x128xf32> to vector<1000x128xf32>
    %mul3A_69 = arith.mulf %tanh3A, %mul3A : vector<1000x128xf32>
    %reduce_sum3A = arith.constant dense<0.000000e+00> : vector<1000xf32>
    %reduce_sum3A_70 = vector.multi_reduction <add>, %mul3A_69, %reduce_sum3A [1] : vector<1000x128xf32> to vector<1000xf32>
    %broadcast_in_dim3A = vector.shape_cast %reduce_sum3A_70 : vector<1000xf32> to vector<1000x1xf32>
    %add3A_71 = arith.constant 9.99999997E-7 : f32
    %add3A_72 = vector.broadcast %add3A_71 : f32 to vector<1000x1xf32>
    %add3A_73 = arith.addf %broadcast_in_dim3A, %add3A_72 : vector<1000x1xf32>
    %mul3A_74 = vector.broadcast %get3A_63 : vector<1x128xf32> to vector<1000x128xf32>
    %mul3A_75 = arith.mulf %tanh3A_68, %mul3A_74 : vector<1000x128xf32>
    %reduce_sum3A_76 = arith.constant dense<0.000000e+00> : vector<1000xf32>
    %reduce_sum3A_77 = vector.multi_reduction <add>, %mul3A_75, %reduce_sum3A_76 [1] : vector<1000x128xf32> to vector<1000xf32>
    %broadcast_in_dim3A_78 = vector.shape_cast %reduce_sum3A_77 : vector<1000xf32> to vector<1000x1xf32>
    %add3A_79 = arith.constant 9.99999997E-7 : f32
    %add3A_80 = vector.broadcast %add3A_79 : f32 to vector<1000x1xf32>
    %add3A_81 = arith.addf %broadcast_in_dim3A_78, %add3A_80 : vector<1000x1xf32>
    %max3A_82 = arith.maximumf %add3A_73, %add3A_81 : vector<1000x1xf32>
    %sub3A = arith.subf %add3A_73, %max3A_82 : vector<1000x1xf32>
    %exp3A = math.exp %sub3A : vector<1000x1xf32>
    %sub3A_83 = arith.subf %add3A_81, %max3A_82 : vector<1000x1xf32>
    %exp3A_84 = math.exp %sub3A_83 : vector<1000x1xf32>
    %add3A_85 = arith.addf %exp3A, %exp3A_84 : vector<1000x1xf32>
    %div3A_86 = arith.divf %exp3A, %add3A_85 : vector<1000x1xf32>
    %div3A_87 = arith.divf %exp3A_84, %add3A_85 : vector<1000x1xf32>
    %mul3A_88 = vector.broadcast %div3A_86 : vector<1000x1xf32> to vector<1000x128xf32>
    %mul3A_89 = arith.mulf %mul3A_88, %add3A_36 : vector<1000x128xf32>
    %mul3A_90 = vector.broadcast %div3A_87 : vector<1000x1xf32> to vector<1000x128xf32>
    %mul3A_91 = arith.mulf %mul3A_90, %add3A_57 : vector<1000x128xf32>
    %add3A_92 = arith.addf %mul3A_89, %mul3A_91 : vector<1000x128xf32>
    %swap3A = arith.constant 0 : index
    %swap3A_93 = arith.constant 0 : index
    %swap3A_94 = vector.load %arg11[%swap3A, %swap3A_93] : memref<1000x128xf32, #tpu.memory_space<vmem>>, vector<1000x128xf32>
    tpu.vector_store %arg11[%swap3A, %swap3A_93], %add3A_92 {strides = array<i32>} : memref<1000x128xf32, #tpu.memory_space<vmem>>, vector<1000x128xf32>,
    %concatenate3A = tpu.concatenate %div3A_86, %div3A_87 in 1 : vector<1000x1xf32>, vector<1000x1xf32> -> vector<1000x2xf32>
    %swap3A_95 = arith.constant 0 : index
    %swap3A_96 = arith.constant 0 : index
    %swap3A_97 = vector.load %arg12[%swap3A_95, %swap3A_96] : memref<1000x2xf32, #tpu.memory_space<vmem>>, vector<1000x2xf32>
    tpu.vector_store %arg12[%swap3A_95, %swap3A_96], %concatenate3A {strides = array<i32>} : memref<1000x2xf32, #tpu.memory_space<vmem>>, vector<1000x2xf32>,
    %get3A_98 = arith.constant 0 : index
    %get3A_99 = arith.constant 0 : index
    %get3A_100 = vector.load %arg9[%get3A_98, %get3A_99] : memref<128x1024xf32, #tpu.memory_space<vmem>>, vector<128x1024xf32>
    %dot_general3A_101 = arith.constant dense<0.000000e+00> : vector<1000x1024xf32>
    %dot_general3A_102 = tpu.matmul %add3A_92, %get3A_100, %dot_general3A_101 {dimension_numbers = #tpu.dot_dimension_numbers<[1], [0], [0], [1], [0, 0, 1, 1], [], []>, transpose_lhs_hint = false} : vector<1000x128xf32>, vector<128x1024xf32>, vector<1000x1024xf32> -> vector<1000x1024xf32>
    %get3A_103 = arith.constant 0 : index
    %get3A_104 = arith.constant 0 : index
    %get3A_105 = vector.load %arg10[%get3A_103, %get3A_104] : memref<1x1024xf32, #tpu.memory_space<vmem>>, vector<1x1024xf32>
    %add3A_106 = vector.broadcast %get3A_105 : vector<1x1024xf32> to vector<1000x1024xf32>
    %add3A_107 = arith.addf %dot_general3A_102, %add3A_106 : vector<1000x1024xf32>
    %get3A_108 = arith.constant 0 : index
    %get3A_109 = arith.constant 0 : index
    %get3A_110 = vector.load %arg14[%get3A_108, %get3A_109] : memref<2x1024xf32, #tpu.memory_space<vmem>>, vector<1x1024xf32>
    %get3A_111 = vector.shape_cast %get3A_110 : vector<1x1024xf32> to vector<1024xf32>
    %reduce_sum3A_112 = arith.constant dense<0.000000e+00> : vector<1024xf32>
    %reduce_sum3A_113 = vector.multi_reduction <add>, %add3A_107, %reduce_sum3A_112 [0] : vector<1000x1024xf32> to vector<1024xf32>
    %add3A_114 = arith.addf %get3A_111, %reduce_sum3A_113 : vector<1024xf32>
    %swap3A_115 = arith.constant 0 : index
    %swap3A_116 = arith.constant 0 : index
    %swap3A_117 = vector.load %arg14[%swap3A_115, %swap3A_116] : memref<2x1024xf32, #tpu.memory_space<vmem>>, vector<1x1024xf32>
    %swap3A_118 = vector.shape_cast %swap3A_117 : vector<1x1024xf32> to vector<1024xf32>
    %swap3A_119 = vector.shape_cast %add3A_114 : vector<1024xf32> to vector<1x1024xf32>
    tpu.vector_store %arg14[%swap3A_115, %swap3A_116], %swap3A_119 {strides = array<i32>} : memref<2x1024xf32, #tpu.memory_space<vmem>>, vector<1x1024xf32>,
    %get3A_120 = arith.constant 1 : index
    %get3A_121 = arith.constant 0 : index
    %get3A_122 = vector.load %arg14[%get3A_120, %get3A_121] : memref<2x1024xf32, #tpu.memory_space<vmem>>, vector<1x1024xf32>
    %get3A_123 = vector.shape_cast %get3A_122 : vector<1x1024xf32> to vector<1024xf32>
    %mul3A_124 = arith.mulf %add3A_107, %add3A_107 : vector<1000x1024xf32>
    %reduce_sum3A_125 = arith.constant dense<0.000000e+00> : vector<1024xf32>
    %reduce_sum3A_126 = vector.multi_reduction <add>, %mul3A_124, %reduce_sum3A_125 [0] : vector<1000x1024xf32> to vector<1024xf32>
    %add3A_127 = arith.addf %get3A_123, %reduce_sum3A_126 : vector<1024xf32>
    %swap3A_128 = arith.constant 1 : index
    %swap3A_129 = arith.constant 0 : index
    %swap3A_130 = vector.load %arg14[%swap3A_128, %swap3A_129] : memref<2x1024xf32, #tpu.memory_space<vmem>>, vector<1x1024xf32>
    %swap3A_131 = vector.shape_cast %swap3A_130 : vector<1x1024xf32> to vector<1024xf32>
    %swap3A_132 = vector.shape_cast %add3A_127 : vector<1024xf32> to vector<1x1024xf32>
    tpu.vector_store %arg14[%swap3A_128, %swap3A_129], %swap3A_132 {strides = array<i32>} : memref<2x1024xf32, #tpu.memory_space<vmem>>, vector<1x1024xf32>,
    %eq3A_133 = arith.constant 9 : i32
    %eq3A_134 = arith.cmpi eq, %arg0, %eq3A_133 : i32
    %convert_element_type3A_135 = arith.extui %eq3A_134 : i1 to i32
    %cond3A_136 = arith.constant 0 : i32
    %cond3A_137 = arith.cmpi ne, %convert_element_type3A_135, %cond3A_136 : i32
    scf.if %cond3A_137 {
      %get3A_138 = arith.constant 0 : index
      %get3A_139 = arith.constant 0 : index
      %get3A_140 = vector.load %arg14[%get3A_138, %get3A_139] : memref<2x1024xf32, #tpu.memory_space<vmem>>, vector<2x1024xf32>
      %swap3A_141 = arith.constant 0 : index
      %swap3A_142 = arith.constant 0 : index
      %swap3A_143 = vector.load %arg13[%swap3A_141, %swap3A_142] : memref<2x1024xf32, #tpu.memory_space<vmem>>, vector<2x1024xf32>
      tpu.vector_store %arg13[%swap3A_141, %swap3A_142], %get3A_140 {strides = array<i32>} : memref<2x1024xf32, #tpu.memory_space<vmem>>, vector<2x1024xf32>,
    } else {
    }
    return
  }
  func.func @transform_0(%arg0: i32) -> (i32, i32, i32) {
    %c0_i32 = arith.constant 0 : i32
    %c0_i32_0 = arith.constant 0 : i32
    %c0_i32_1 = arith.constant 0 : i32
    return %c0_i32, %arg0, %c0_i32_0 : i32, i32, i32
  }
  func.func @transform_1(%arg0: i32) -> (i32, i32, i32) {
    %c0_i32 = arith.constant 0 : i32
    %c0_i32_0 = arith.constant 0 : i32
    %c0_i32_1 = arith.constant 0 : i32
    return %c0_i32, %arg0, %c0_i32_0 : i32, i32, i32
  }
  func.func @transform_2(%arg0: i32) -> (i32, i32, i32) {
    %c0_i32 = arith.constant 0 : i32
    %c0_i32_0 = arith.constant 0 : i32
    %c0_i32_1 = arith.constant 0 : i32
    return %c0_i32, %arg0, %c0_i32_0 : i32, i32, i32
  }
  func.func @transform_3(%arg0: i32) -> (i32, i32) {
    %c0_i32 = arith.constant 0 : i32
    %c0_i32_0 = arith.constant 0 : i32
    %c0_i32_1 = arith.constant 0 : i32
    return %c0_i32, %c0_i32_0 : i32, i32
  }
  func.func @transform_4(%arg0: i32) -> (i32, i32) {
    %c0_i32 = arith.constant 0 : i32
    %c0_i32_0 = arith.constant 0 : i32
    %c0_i32_1 = arith.constant 0 : i32
    return %c0_i32, %c0_i32_0 : i32, i32
  }
  func.func @transform_5(%arg0: i32) -> (i32, i32) {
    %c0_i32 = arith.constant 0 : i32
    %c0_i32_0 = arith.constant 0 : i32
    %c0_i32_1 = arith.constant 0 : i32
    return %c0_i32, %c0_i32_0 : i32, i32
  }
  func.func @transform_6(%arg0: i32) -> (i32, i32) {
    %c0_i32 = arith.constant 0 : i32
    %c0_i32_0 = arith.constant 0 : i32
    %c0_i32_1 = arith.constant 0 : i32
    return %c0_i32, %c0_i32_0 : i32, i32
  }
  func.func @transform_7(%arg0: i32) -> (i32, i32) {
    %c0_i32 = arith.constant 0 : i32
    %c0_i32_0 = arith.constant 0 : i32
    %c0_i32_1 = arith.constant 0 : i32
    return %c0_i32, %c0_i32_0 : i32, i32
  }
  func.func @transform_8(%arg0: i32) -> (i32, i32) {
    %c0_i32 = arith.constant 0 : i32
    %c0_i32_0 = arith.constant 0 : i32
    %c0_i32_1 = arith.constant 0 : i32
    return %c0_i32, %c0_i32_0 : i32, i32
  }
  func.func @transform_9(%arg0: i32) -> (i32, i32) {
    %c0_i32 = arith.constant 0 : i32
    %c0_i32_0 = arith.constant 0 : i32
    %c0_i32_1 = arith.constant 0 : i32
    return %c0_i32, %c0_i32_0 : i32, i32
  }
  func.func @transform_10(%arg0: i32) -> (i32, i32) {
    %c0_i32 = arith.constant 0 : i32
    %c0_i32_0 = arith.constant 0 : i32
    return %arg0, %c0_i32 : i32, i32
  }
  func.func @transform_11(%arg0: i32) -> (i32, i32) {
    %c0_i32 = arith.constant 0 : i32
    %c0_i32_0 = arith.constant 0 : i32
    return %arg0, %c0_i32 : i32, i32
  }
  func.func @transform_12(%arg0: i32) -> (i32, i32) {
    %c0_i32 = arith.constant 0 : i32
    %c0_i32_0 = arith.constant 0 : i32
    %c0_i32_1 = arith.constant 0 : i32
    return %c0_i32, %c0_i32_0 : i32, i32
  }
}

module attributes {stable_mosaic.version = 14 : i64} {
  func.func @body(%arg0: i32, %arg1: memref<1000x128xf32, #tpu.memory_space<vmem>>, %arg2: memref<2x1024xf32, #tpu.memory_space<vmem>>, %arg3: memref<128x1024xf32, #tpu.memory_space<vmem>>, %arg4: memref<1x1024xf32, #tpu.memory_space<vmem>>, %arg5: memref<1x1024xf32, #tpu.memory_space<vmem>>, %arg6: memref<1x1024xf32, #tpu.memory_space<vmem>>, %arg7: memref<1024x128xf32, #tpu.memory_space<vmem>>, %arg8: memref<1x128xf32, #tpu.memory_space<vmem>>, %arg9: memref<1000x128xf32, #tpu.memory_space<vmem>>, %arg10: memref<2x128xf32, #tpu.memory_space<vmem>>, %arg11: memref<2x128xf32, #tpu.memory_space<vmem>>) attributes {dimension_semantics = [#tpu.dimension_semantics<arbitrary>], iteration_bounds = array<i64: 10>, scalar_prefetch = 0 : i64, scratch_operands = 1 : i64, tpu.core_type = #tpu.core_type<tc>, window_params = [{transform_indices = @transform_0, window_bounds = array<i64: 1000, 128>}, {pipeline_mode = #tpu.pipeline_mode<synchronous>, transform_indices = @transform_1, window_bounds = array<i64: 2, 1024>}, {pipeline_mode = #tpu.pipeline_mode<synchronous>, transform_indices = @transform_2, window_bounds = array<i64: 128, 1024>}, {pipeline_mode = #tpu.pipeline_mode<synchronous>, transform_indices = @transform_3, window_bounds = array<i64: 1, 1024>}, {pipeline_mode = #tpu.pipeline_mode<synchronous>, transform_indices = @transform_4, window_bounds = array<i64: 1, 1024>}, {pipeline_mode = #tpu.pipeline_mode<synchronous>, transform_indices = @transform_5, window_bounds = array<i64: 1, 1024>}, {pipeline_mode = #tpu.pipeline_mode<synchronous>, transform_indices = @transform_6, window_bounds = array<i64: 1024, 128>}, {pipeline_mode = #tpu.pipeline_mode<synchronous>, transform_indices = @transform_7, window_bounds = array<i64: 1, 128>}, {transform_indices = @transform_8, window_bounds = array<i64: 1000, 128>}, {pipeline_mode = #tpu.pipeline_mode<synchronous>, transform_indices = @transform_9, window_bounds = array<i64: 2, 128>}]} {
    %eq3A = arith.constant 0 : i32
    %eq3A_0 = arith.cmpi eq, %arg0, %eq3A : i32
    %convert_element_type3A = arith.extui %eq3A_0 : i1 to i32
    %cond3A = arith.constant 0 : i32
    %cond3A_1 = arith.cmpi ne, %convert_element_type3A, %cond3A : i32
    scf.if %cond3A_1 {
      %broadcast_in_dim3A = arith.constant 0.000000e+00 : f32
      %broadcast_in_dim3A_80 = vector.broadcast %broadcast_in_dim3A : f32 to vector<2x128xf32>
      %swap3A_81 = arith.constant 0 : index
      %swap3A_82 = arith.constant 0 : index
      %swap3A_83 = vector.load %arg11[%swap3A_81, %swap3A_82] : memref<2x128xf32, #tpu.memory_space<vmem>>, vector<2x128xf32>
      tpu.vector_store %arg11[%swap3A_81, %swap3A_82], %broadcast_in_dim3A_80 {strides = array<i32>} : memref<2x128xf32, #tpu.memory_space<vmem>>, vector<2x128xf32>,
    } else {
    }
    %get3A = arith.constant 0 : index
    %get3A_2 = arith.constant 0 : index
    %get3A_3 = vector.load %arg2[%get3A, %get3A_2] : memref<2x1024xf32, #tpu.memory_space<vmem>>, vector<2x1024xf32>
    %slice3A = vector.extract_strided_slice %get3A_3 {offsets = [0, 0], sizes = [1, 1024], strides = [1, 1]} : vector<2x1024xf32> to vector<1x1024xf32>
    %div3A = arith.constant 1.000000e+04 : f32
    %div3A_4 = vector.broadcast %div3A : f32 to vector<1x1024xf32>
    %div3A_5 = arith.divf %slice3A, %div3A_4 : vector<1x1024xf32>
    %slice3A_6 = vector.extract_strided_slice %get3A_3 {offsets = [1, 0], sizes = [1, 1024], strides = [1, 1]} : vector<2x1024xf32> to vector<1x1024xf32>
    %div3A_7 = arith.constant 1.000000e+04 : f32
    %div3A_8 = vector.broadcast %div3A_7 : f32 to vector<1x1024xf32>
    %div3A_9 = arith.divf %slice3A_6, %div3A_8 : vector<1x1024xf32>
    %mul3A = arith.mulf %div3A_5, %div3A_5 : vector<1x1024xf32>
    %sub3A = arith.subf %div3A_9, %mul3A : vector<1x1024xf32>
    %get3A_10 = arith.constant 0 : index
    %get3A_11 = arith.constant 0 : index
    %get3A_12 = vector.load %arg5[%get3A_10, %get3A_11] : memref<1x1024xf32, #tpu.memory_space<vmem>>, vector<1x1024xf32>
    %add3A = arith.constant 9.99999974E-6 : f32
    %add3A_13 = vector.broadcast %add3A : f32 to vector<1x1024xf32>
    %add3A_14 = arith.addf %sub3A, %add3A_13 : vector<1x1024xf32>
    %rsqrt3A = math.rsqrt %add3A_14 : vector<1x1024xf32>
    %mul3A_15 = arith.mulf %get3A_12, %rsqrt3A : vector<1x1024xf32>
    %get3A_16 = arith.constant 0 : index
    %get3A_17 = arith.constant 0 : index
    %get3A_18 = vector.load %arg6[%get3A_16, %get3A_17] : memref<1x1024xf32, #tpu.memory_space<vmem>>, vector<1x1024xf32>
    %mul3A_19 = arith.mulf %div3A_5, %mul3A_15 : vector<1x1024xf32>
    %sub3A_20 = arith.subf %get3A_18, %mul3A_19 : vector<1x1024xf32>
    %get3A_21 = arith.constant 0 : index
    %get3A_22 = arith.constant 0 : index
    %get3A_23 = vector.load %arg1[%get3A_21, %get3A_22] : memref<1000x128xf32, #tpu.memory_space<vmem>>, vector<1000x128xf32>
    %get3A_24 = arith.constant 0 : index
    %get3A_25 = arith.constant 0 : index
    %get3A_26 = vector.load %arg3[%get3A_24, %get3A_25] : memref<128x1024xf32, #tpu.memory_space<vmem>>, vector<128x1024xf32>
    %dot_general3A = arith.constant dense<0.000000e+00> : vector<1000x1024xf32>
    %dot_general3A_27 = tpu.matmul %get3A_23, %get3A_26, %dot_general3A {dimension_numbers = #tpu.dot_dimension_numbers<[1], [0], [0], [1], [0, 0, 1, 1], [], []>, transpose_lhs_hint = false} : vector<1000x128xf32>, vector<128x1024xf32>, vector<1000x1024xf32> -> vector<1000x1024xf32>
    %get3A_28 = arith.constant 0 : index
    %get3A_29 = arith.constant 0 : index
    %get3A_30 = vector.load %arg4[%get3A_28, %get3A_29] : memref<1x1024xf32, #tpu.memory_space<vmem>>, vector<1x1024xf32>
    %add3A_31 = vector.broadcast %get3A_30 : vector<1x1024xf32> to vector<1000x1024xf32>
    %add3A_32 = arith.addf %dot_general3A_27, %add3A_31 : vector<1000x1024xf32>
    %mul3A_33 = vector.broadcast %mul3A_15 : vector<1x1024xf32> to vector<1000x1024xf32>
    %mul3A_34 = arith.mulf %add3A_32, %mul3A_33 : vector<1000x1024xf32>
    %add3A_35 = vector.broadcast %sub3A_20 : vector<1x1024xf32> to vector<1000x1024xf32>
    %add3A_36 = arith.addf %mul3A_34, %add3A_35 : vector<1000x1024xf32>
    %max3A = arith.constant 0.000000e+00 : f32
    %max3A_37 = vector.broadcast %max3A : f32 to vector<1000x1024xf32>
    %max3A_38 = arith.maximumf %add3A_36, %max3A_37 : vector<1000x1024xf32>
    %get3A_39 = arith.constant 0 : index
    %get3A_40 = arith.constant 0 : index
    %get3A_41 = vector.load %arg7[%get3A_39, %get3A_40] : memref<1024x128xf32, #tpu.memory_space<vmem>>, vector<1024x128xf32>
    %dot_general3A_42 = arith.constant dense<0.000000e+00> : vector<1000x128xf32>
    %dot_general3A_43 = tpu.matmul %max3A_38, %get3A_41, %dot_general3A_42 {dimension_numbers = #tpu.dot_dimension_numbers<[1], [0], [0], [1], [0, 0, 1, 1], [], []>, transpose_lhs_hint = false} : vector<1000x1024xf32>, vector<1024x128xf32>, vector<1000x128xf32> -> vector<1000x128xf32>
    %get3A_44 = arith.constant 0 : index
    %get3A_45 = arith.constant 0 : index
    %get3A_46 = vector.load %arg8[%get3A_44, %get3A_45] : memref<1x128xf32, #tpu.memory_space<vmem>>, vector<1x128xf32>
    %add3A_47 = vector.broadcast %get3A_46 : vector<1x128xf32> to vector<1000x128xf32>
    %add3A_48 = arith.addf %dot_general3A_43, %add3A_47 : vector<1000x128xf32>
    %swap3A = arith.constant 0 : index
    %swap3A_49 = arith.constant 0 : index
    %swap3A_50 = vector.load %arg9[%swap3A, %swap3A_49] : memref<1000x128xf32, #tpu.memory_space<vmem>>, vector<1000x128xf32>
    tpu.vector_store %arg9[%swap3A, %swap3A_49], %add3A_48 {strides = array<i32>} : memref<1000x128xf32, #tpu.memory_space<vmem>>, vector<1000x128xf32>,
    %get3A_51 = arith.constant 0 : index
    %get3A_52 = arith.constant 0 : index
    %get3A_53 = vector.load %arg11[%get3A_51, %get3A_52] : memref<2x128xf32, #tpu.memory_space<vmem>>, vector<1x128xf32>
    %get3A_54 = vector.shape_cast %get3A_53 : vector<1x128xf32> to vector<128xf32>
    %reduce_sum3A = arith.constant dense<0.000000e+00> : vector<128xf32>
    %reduce_sum3A_55 = vector.multi_reduction <add>, %add3A_48, %reduce_sum3A [0] : vector<1000x128xf32> to vector<128xf32>
    %add3A_56 = arith.addf %get3A_54, %reduce_sum3A_55 : vector<128xf32>
    %swap3A_57 = arith.constant 0 : index
    %swap3A_58 = arith.constant 0 : index
    %swap3A_59 = vector.load %arg11[%swap3A_57, %swap3A_58] : memref<2x128xf32, #tpu.memory_space<vmem>>, vector<1x128xf32>
    %swap3A_60 = vector.shape_cast %swap3A_59 : vector<1x128xf32> to vector<128xf32>
    %swap3A_61 = vector.shape_cast %add3A_56 : vector<128xf32> to vector<1x128xf32>
    tpu.vector_store %arg11[%swap3A_57, %swap3A_58], %swap3A_61 {strides = array<i32>} : memref<2x128xf32, #tpu.memory_space<vmem>>, vector<1x128xf32>,
    %get3A_62 = arith.constant 1 : index
    %get3A_63 = arith.constant 0 : index
    %get3A_64 = vector.load %arg11[%get3A_62, %get3A_63] : memref<2x128xf32, #tpu.memory_space<vmem>>, vector<1x128xf32>
    %get3A_65 = vector.shape_cast %get3A_64 : vector<1x128xf32> to vector<128xf32>
    %mul3A_66 = arith.mulf %add3A_48, %add3A_48 : vector<1000x128xf32>
    %reduce_sum3A_67 = arith.constant dense<0.000000e+00> : vector<128xf32>
    %reduce_sum3A_68 = vector.multi_reduction <add>, %mul3A_66, %reduce_sum3A_67 [0] : vector<1000x128xf32> to vector<128xf32>
    %add3A_69 = arith.addf %get3A_65, %reduce_sum3A_68 : vector<128xf32>
    %swap3A_70 = arith.constant 1 : index
    %swap3A_71 = arith.constant 0 : index
    %swap3A_72 = vector.load %arg11[%swap3A_70, %swap3A_71] : memref<2x128xf32, #tpu.memory_space<vmem>>, vector<1x128xf32>
    %swap3A_73 = vector.shape_cast %swap3A_72 : vector<1x128xf32> to vector<128xf32>
    %swap3A_74 = vector.shape_cast %add3A_69 : vector<128xf32> to vector<1x128xf32>
    tpu.vector_store %arg11[%swap3A_70, %swap3A_71], %swap3A_74 {strides = array<i32>} : memref<2x128xf32, #tpu.memory_space<vmem>>, vector<1x128xf32>,
    %eq3A_75 = arith.constant 9 : i32
    %eq3A_76 = arith.cmpi eq, %arg0, %eq3A_75 : i32
    %convert_element_type3A_77 = arith.extui %eq3A_76 : i1 to i32
    %cond3A_78 = arith.constant 0 : i32
    %cond3A_79 = arith.cmpi ne, %convert_element_type3A_77, %cond3A_78 : i32
    scf.if %cond3A_79 {
      %get3A_80 = arith.constant 0 : index
      %get3A_81 = arith.constant 0 : index
      %get3A_82 = vector.load %arg11[%get3A_80, %get3A_81] : memref<2x128xf32, #tpu.memory_space<vmem>>, vector<2x128xf32>
      %swap3A_83 = arith.constant 0 : index
      %swap3A_84 = arith.constant 0 : index
      %swap3A_85 = vector.load %arg10[%swap3A_83, %swap3A_84] : memref<2x128xf32, #tpu.memory_space<vmem>>, vector<2x128xf32>
      tpu.vector_store %arg10[%swap3A_83, %swap3A_84], %get3A_82 {strides = array<i32>} : memref<2x128xf32, #tpu.memory_space<vmem>>, vector<2x128xf32>,
    } else {
    }
    return
  }
  func.func @transform_0(%arg0: i32) -> (i32, i32) {
    %c0_i32 = arith.constant 0 : i32
    %c0_i32_0 = arith.constant 0 : i32
    return %arg0, %c0_i32 : i32, i32
  }
  func.func @transform_1(%arg0: i32) -> (i32, i32) {
    %c0_i32 = arith.constant 0 : i32
    %c0_i32_0 = arith.constant 0 : i32
    %c0_i32_1 = arith.constant 0 : i32
    return %c0_i32, %c0_i32_0 : i32, i32
  }
  func.func @transform_2(%arg0: i32) -> (i32, i32) {
    %c0_i32 = arith.constant 0 : i32
    %c0_i32_0 = arith.constant 0 : i32
    %c0_i32_1 = arith.constant 0 : i32
    return %c0_i32, %c0_i32_0 : i32, i32
  }
  func.func @transform_3(%arg0: i32) -> (i32, i32) {
    %c0_i32 = arith.constant 0 : i32
    %c0_i32_0 = arith.constant 0 : i32
    %c0_i32_1 = arith.constant 0 : i32
    return %c0_i32, %c0_i32_0 : i32, i32
  }
  func.func @transform_4(%arg0: i32) -> (i32, i32) {
    %c0_i32 = arith.constant 0 : i32
    %c0_i32_0 = arith.constant 0 : i32
    %c0_i32_1 = arith.constant 0 : i32
    return %c0_i32, %c0_i32_0 : i32, i32
  }
  func.func @transform_5(%arg0: i32) -> (i32, i32) {
    %c0_i32 = arith.constant 0 : i32
    %c0_i32_0 = arith.constant 0 : i32
    %c0_i32_1 = arith.constant 0 : i32
    return %c0_i32, %c0_i32_0 : i32, i32
  }
  func.func @transform_6(%arg0: i32) -> (i32, i32) {
    %c0_i32 = arith.constant 0 : i32
    %c0_i32_0 = arith.constant 0 : i32
    %c0_i32_1 = arith.constant 0 : i32
    return %c0_i32, %c0_i32_0 : i32, i32
  }
  func.func @transform_7(%arg0: i32) -> (i32, i32) {
    %c0_i32 = arith.constant 0 : i32
    %c0_i32_0 = arith.constant 0 : i32
    %c0_i32_1 = arith.constant 0 : i32
    return %c0_i32, %c0_i32_0 : i32, i32
  }
  func.func @transform_8(%arg0: i32) -> (i32, i32) {
    %c0_i32 = arith.constant 0 : i32
    %c0_i32_0 = arith.constant 0 : i32
    return %arg0, %c0_i32 : i32, i32
  }
  func.func @transform_9(%arg0: i32) -> (i32, i32) {
    %c0_i32 = arith.constant 0 : i32
    %c0_i32_0 = arith.constant 0 : i32
    %c0_i32_1 = arith.constant 0 : i32
    return %c0_i32, %c0_i32_0 : i32, i32
  }
}

module attributes {stable_mosaic.version = 14 : i64} {
  func.func @body(%arg0: i32, %arg1: memref<1000x128xf32, #tpu.memory_space<vmem>>, %arg2: memref<2x128xf32, #tpu.memory_space<vmem>>, %arg3: memref<1x128xf32, #tpu.memory_space<vmem>>, %arg4: memref<1x128xf32, #tpu.memory_space<vmem>>, %arg5: memref<128x64xf32, #tpu.memory_space<vmem>>, %arg6: memref<1x64xf32, #tpu.memory_space<vmem>>, %arg7: memref<1000x64xf32, #tpu.memory_space<vmem>>) attributes {dimension_semantics = [#tpu.dimension_semantics<arbitrary>], iteration_bounds = array<i64: 10>, scalar_prefetch = 0 : i64, scratch_operands = 0 : i64, tpu.core_type = #tpu.core_type<tc>, window_params = [{transform_indices = @transform_0, window_bounds = array<i64: 1000, 128>}, {pipeline_mode = #tpu.pipeline_mode<synchronous>, transform_indices = @transform_1, window_bounds = array<i64: 2, 128>}, {pipeline_mode = #tpu.pipeline_mode<synchronous>, transform_indices = @transform_2, window_bounds = array<i64: 1, 128>}, {pipeline_mode = #tpu.pipeline_mode<synchronous>, transform_indices = @transform_3, window_bounds = array<i64: 1, 128>}, {pipeline_mode = #tpu.pipeline_mode<synchronous>, transform_indices = @transform_4, window_bounds = array<i64: 128, 64>}, {pipeline_mode = #tpu.pipeline_mode<synchronous>, transform_indices = @transform_5, window_bounds = array<i64: 1, 64>}, {transform_indices = @transform_6, window_bounds = array<i64: 1000, 64>}]} {
    %get3A = arith.constant 0 : index
    %get3A_0 = arith.constant 0 : index
    %get3A_1 = vector.load %arg2[%get3A, %get3A_0] : memref<2x128xf32, #tpu.memory_space<vmem>>, vector<2x128xf32>
    %slice3A = vector.extract_strided_slice %get3A_1 {offsets = [0, 0], sizes = [1, 128], strides = [1, 1]} : vector<2x128xf32> to vector<1x128xf32>
    %div3A = arith.constant 1.000000e+04 : f32
    %div3A_2 = vector.broadcast %div3A : f32 to vector<1x128xf32>
    %div3A_3 = arith.divf %slice3A, %div3A_2 : vector<1x128xf32>
    %slice3A_4 = vector.extract_strided_slice %get3A_1 {offsets = [1, 0], sizes = [1, 128], strides = [1, 1]} : vector<2x128xf32> to vector<1x128xf32>
    %div3A_5 = arith.constant 1.000000e+04 : f32
    %div3A_6 = vector.broadcast %div3A_5 : f32 to vector<1x128xf32>
    %div3A_7 = arith.divf %slice3A_4, %div3A_6 : vector<1x128xf32>
    %mul3A = arith.mulf %div3A_3, %div3A_3 : vector<1x128xf32>
    %sub3A = arith.subf %div3A_7, %mul3A : vector<1x128xf32>
    %get3A_8 = arith.constant 0 : index
    %get3A_9 = arith.constant 0 : index
    %get3A_10 = vector.load %arg3[%get3A_8, %get3A_9] : memref<1x128xf32, #tpu.memory_space<vmem>>, vector<1x128xf32>
    %add3A = arith.constant 9.99999974E-6 : f32
    %add3A_11 = vector.broadcast %add3A : f32 to vector<1x128xf32>
    %add3A_12 = arith.addf %sub3A, %add3A_11 : vector<1x128xf32>
    %rsqrt3A = math.rsqrt %add3A_12 : vector<1x128xf32>
    %mul3A_13 = arith.mulf %get3A_10, %rsqrt3A : vector<1x128xf32>
    %get3A_14 = arith.constant 0 : index
    %get3A_15 = arith.constant 0 : index
    %get3A_16 = vector.load %arg4[%get3A_14, %get3A_15] : memref<1x128xf32, #tpu.memory_space<vmem>>, vector<1x128xf32>
    %mul3A_17 = arith.mulf %div3A_3, %mul3A_13 : vector<1x128xf32>
    %sub3A_18 = arith.subf %get3A_16, %mul3A_17 : vector<1x128xf32>
    %get3A_19 = arith.constant 0 : index
    %get3A_20 = arith.constant 0 : index
    %get3A_21 = vector.load %arg1[%get3A_19, %get3A_20] : memref<1000x128xf32, #tpu.memory_space<vmem>>, vector<1000x128xf32>
    %mul3A_22 = vector.broadcast %mul3A_13 : vector<1x128xf32> to vector<1000x128xf32>
    %mul3A_23 = arith.mulf %get3A_21, %mul3A_22 : vector<1000x128xf32>
    %add3A_24 = vector.broadcast %sub3A_18 : vector<1x128xf32> to vector<1000x128xf32>
    %add3A_25 = arith.addf %mul3A_23, %add3A_24 : vector<1000x128xf32>
    %max3A = arith.constant 0.000000e+00 : f32
    %max3A_26 = vector.broadcast %max3A : f32 to vector<1000x128xf32>
    %max3A_27 = arith.maximumf %add3A_25, %max3A_26 : vector<1000x128xf32>
    %get3A_28 = arith.constant 0 : index
    %get3A_29 = arith.constant 0 : index
    %get3A_30 = vector.load %arg5[%get3A_28, %get3A_29] : memref<128x64xf32, #tpu.memory_space<vmem>>, vector<128x64xf32>
    %dot_general3A = arith.constant dense<0.000000e+00> : vector<1000x64xf32>
    %dot_general3A_31 = tpu.matmul %max3A_27, %get3A_30, %dot_general3A {dimension_numbers = #tpu.dot_dimension_numbers<[1], [0], [0], [1], [0, 0, 1, 1], [], []>, transpose_lhs_hint = false} : vector<1000x128xf32>, vector<128x64xf32>, vector<1000x64xf32> -> vector<1000x64xf32>
    %get3A_32 = arith.constant 0 : index
    %get3A_33 = arith.constant 0 : index
    %get3A_34 = vector.load %arg6[%get3A_32, %get3A_33] : memref<1x64xf32, #tpu.memory_space<vmem>>, vector<1x64xf32>
    %add3A_35 = vector.broadcast %get3A_34 : vector<1x64xf32> to vector<1000x64xf32>
    %add3A_36 = arith.addf %dot_general3A_31, %add3A_35 : vector<1000x64xf32>
    %swap3A = arith.constant 0 : index
    %swap3A_37 = arith.constant 0 : index
    %swap3A_38 = vector.load %arg7[%swap3A, %swap3A_37] : memref<1000x64xf32, #tpu.memory_space<vmem>>, vector<1000x64xf32>
    tpu.vector_store %arg7[%swap3A, %swap3A_37], %add3A_36 {strides = array<i32>} : memref<1000x64xf32, #tpu.memory_space<vmem>>, vector<1000x64xf32>,
    return
  }
  func.func @transform_0(%arg0: i32) -> (i32, i32) {
    %c0_i32 = arith.constant 0 : i32
    %c0_i32_0 = arith.constant 0 : i32
    return %arg0, %c0_i32 : i32, i32
  }
  func.func @transform_1(%arg0: i32) -> (i32, i32) {
    %c0_i32 = arith.constant 0 : i32
    %c0_i32_0 = arith.constant 0 : i32
    %c0_i32_1 = arith.constant 0 : i32
    return %c0_i32, %c0_i32_0 : i32, i32
  }
  func.func @transform_2(%arg0: i32) -> (i32, i32) {
    %c0_i32 = arith.constant 0 : i32
    %c0_i32_0 = arith.constant 0 : i32
    %c0_i32_1 = arith.constant 0 : i32
    return %c0_i32, %c0_i32_0 : i32, i32
  }
  func.func @transform_3(%arg0: i32) -> (i32, i32) {
    %c0_i32 = arith.constant 0 : i32
    %c0_i32_0 = arith.constant 0 : i32
    %c0_i32_1 = arith.constant 0 : i32
    return %c0_i32, %c0_i32_0 : i32, i32
  }
  func.func @transform_4(%arg0: i32) -> (i32, i32) {
    %c0_i32 = arith.constant 0 : i32
    %c0_i32_0 = arith.constant 0 : i32
    %c0_i32_1 = arith.constant 0 : i32
    return %c0_i32, %c0_i32_0 : i32, i32
  }
  func.func @transform_5(%arg0: i32) -> (i32, i32) {
    %c0_i32 = arith.constant 0 : i32
    %c0_i32_0 = arith.constant 0 : i32
    %c0_i32_1 = arith.constant 0 : i32
    return %c0_i32, %c0_i32_0 : i32, i32
  }
  func.func @transform_6(%arg0: i32) -> (i32, i32) {
    %c0_i32 = arith.constant 0 : i32
    %c0_i32_0 = arith.constant 0 : i32
    return %arg0, %c0_i32 : i32, i32
  }
}

</mosaic_0001>

<sc_bundles>
// kernel: kernel.12.cloned.1.call-start
scs
__scs_entry_jumppad:
0x0: {  	(pc) =	sbr.rel $0x88, $3  }
0x1: {  	(tag) =	ssettag $0x0;
	lr =	simm.s32 $0x1  }
0x2: {  	[smem:$0x3F8C] =	sst lr;
	_ =	strace $0xD0000000  }
0x3: {  	_ = 	snop  }
0x4: {  	_ = 	snop  }
0x5: {  	_ = 	snop  }
0x6: {  	_ = 	snop  }
0x7: {  	_ = 	snop  }
__scs_overlays_trampoline_lowered:
0x8: {  	[smem:$0x3F9B] =	sst s0  }
0x9: {  	[smem:$0x3F9C] =	sst s1  }
0xa: {  	[smem:$0x3F9D] =	sst s2  }
0xb: {  	[smem:$0x3F9E] =	sst s3  }
0xc: {  	[smem:$0x3F9F] =	sst s4  }
0xd: {  	[smem:$0x3FA0] =	sst s5  }
0xe: {  	[smem:$0x3FA1] =	sst s6  }
0xf: {  	[smem:$0x3FA2] =	sst s7  }
0x10: {  	[smem:$0x3FA3] =	sst s8  }
0x11: {  	[smem:$0x3FA4] =	sst s9;
	s0 =	simm.s32 @!p0 $0x0  }
0x12: {  	s1 =	sld [smem:$0x3F8A];
	s0 =	simm.s32 @p0 $0x1  }
0x13: {  	[smem:$0x3FA5] =	sst s0;
	s0 =	simm.s32 @!p1 $0x0  }
0x14: {  	s2 =	sld [smem:$0x3F89];
	s0 =	simm.s32 @p1 $0x1  }
0x15: {  	[smem:$0x3FA6] =	sst s0;
	s0 =	simm.s32 @!p2 $0x0  }
0x16: {  	s3 =	sld [smem:$0x3FDB];
	s0 =	simm.s32 @p2 $0x1  }
0x17: {  	s4 =	simm.s32 $0x1BF5;
	[smem:$0x3FA8] =	sst s0  }
0x18: {  	s0 =	sld [smem:$0x3F8B];
	_ =	swait.ge [sflag:s4], $0x0  }
0x19: {  	s7 =	sld [smem:$0x3F8C]  }
0x1a: {  	s8 =	sadd.s32 $0xFFFFE003, lr  }
0x1b: {  	s9 =	sadd.s32 $0xFFFFFEF7, lr;
	s5 =	simm.s32 $0xFFFFFFFF;
	p2 =	slt.u32 s8, $0xFFFFF086  }
0x1c: {  	p1 =	slt.u32 s9, $0xF7A;
	s5 =	simm.s32 @!p2 $0x0  }
0x1d: {  	s5 =	simm.s32 @p1 $0x1;
	p0 =	seq.s32 s7, s2  }
0x1e: {  	s7 =	smul.u32 @!p0 $0xF7A, s2;
	p2 =	seq.s32 @!p0 s5, $0x0  }
0x1f: {  	s9 =	smul.u32 $0xF7A, s1;
	s8 =	simm.s32 @!p0 $0x1BF5;
	p2 =	por !p2, p0  }
0x20: {  	[sflag:s8] =	ssyncset.s32 @!p0 $0xFFFFF086;
	s6 =	sadd.s32 @!p0 s3, s7;
	s7 =	simm.s32 @!p0 $0x108  }
0x21: {  	s3 =	sadd.s32 s3, s9;
	s6 =	sadd.s32 @!p0 $0x88, s6;
	s7 =	simm.s32 @p2 $0x1082  }
0x22: {  	[simem:s7], [sflag:s8] =	dma.local @!p0 [hbm:s6], $0xF7A  }
0x23: {  	s9 =	sor.u32 $0xD0000000, s2;
	s6 =	simm.s32 $0x108;
	_ =	swait.ge @!p0 [sflag:s8], $0x0  }
0x24: {  	s3 =	sadd.s32 $0x88, s3;
	s6 =	simm.s32 @!p1 $0x1082;
	[sflag:s4] =	ssyncset.s32 $0xFFFFF086  }
0x25: {  	[simem:s6], [sflag:s4] =	dma.local [hbm:s3], $0xF7A  }
0x26: {  	[smem:$0x3F8C] =	sst s1;
	(tag) =	ssettag s2;
	_ =	strace s9  }
0x27: {  	s1 =	sld [smem:$0x3F9C]  }
0x28: {  	s2 =	sld [smem:$0x3F9D]  }
0x29: {  	s4 =	sld [smem:$0x3F9F]  }
0x2a: {  	p0 =	seq.s32 s5, $0x0;
	s5 =	sld [smem:$0x3FA0]  }
0x2b: {  	s6 =	sld [smem:$0x3FA1]  }
0x2c: {  	s7 =	sld [smem:$0x3FA2]  }
0x2d: {  	s3 =	simm.s32 $0x108;
	s8 =	sld [smem:$0x3FA3]  }
0x2e: {  	s3 =	simm.s32 @!p0 $0x1082;
	s9 =	sld [smem:$0x3FA4]  }
0x2f: {  	lr =	sadd.s32 s0, s3;
	s0 =	sld [smem:$0x3F9B]  }
0x30: {  	s3 =	sld [smem:$0x3F9E]  }
0x31: {  	[smem:$0x3FA7] =	sst s10  }
0x32: {  	s10 =	sld [smem:$0x3FA5];
	_ =	sdelay $0x3  }
0x33: {  	p0 =	seq.s32 s10, $0x1;
	s10 =	sld [smem:$0x3FA7];
	_ =	sdelay $0x3  }
0x34: {  	[smem:$0x3FA7] =	sst s10  }
0x35: {  	s10 =	sld [smem:$0x3FA6];
	_ =	sdelay $0x3  }
0x36: {  	p1 =	seq.s32 s10, $0x1;
	s10 =	sld [smem:$0x3FA7];
	_ =	sdelay $0x3  }
0x37: {  	[smem:$0x3FA7] =	sst s10  }
0x38: {  	s10 =	sld [smem:$0x3FA8]  }
0x39: {  	_ = 	snop;
	(pc) =	sbr.ind lr, $3  }
0x3a: {  	_ = 	snop  }
0x3b: {  	_ = 	snop  }
0x3c: {  	p2 =	seq.s32 s10, $0x1;
	s10 =	sld [smem:$0x3FA7]  }
0x3d: {  	_ =	shalt  }
0x3e: {  	_ =	shalt  }
0x3f: {  	_ =	shalt  }
0x40: {  	_ =	shalt  }
0x41: {  	_ =	shalt  }
0x42: {  	_ =	shalt  }
0x43: {  	_ =	shalt  }
0x44: {  	_ =	shalt  }
0x45: {  	_ =	shalt  }
0x46: {  	_ =	shalt  }
0x47: {  	_ =	shalt  }
0x48: {  	_ =	shalt  }
0x49: {  	_ =	shalt  }
0x4a: {  	_ =	shalt  }
0x4b: {  	_ =	shalt  }
0x4c: {  	_ =	shalt  }
0x4d: {  	_ =	shalt  }
0x4e: {  	_ =	shalt  }
0x4f: {  	_ =	shalt  }
0x50: {  	_ =	shalt  }
0x51: {  	_ =	shalt  }
0x52: {  	_ =	shalt  }
0x53: {  	_ =	shalt  }
0x54: {  	_ =	shalt  }
0x55: {  	_ =	shalt  }
0x56: {  	_ =	shalt  }
0x57: {  	_ =	shalt  }
0x58: {  	_ =	shalt  }
0x59: {  	_ =	shalt  }
0x5a: {  	_ =	shalt  }
0x5b: {  	_ =	shalt  }
0x5c: {  	_ =	shalt  }
0x5d: {  	_ =	shalt  }
0x5e: {  	_ =	shalt  }
0x5f: {  	_ =	shalt  }
0x60: {  	_ =	shalt  }
0x61: {  	_ =	shalt  }
0x62: {  	_ =	shalt  }
0x63: {  	_ =	shalt  }
0x64: {  	_ =	shalt  }
0x65: {  	_ =	shalt  }
0x66: {  	_ =	shalt  }
0x67: {  	_ =	shalt  }
0x68: {  	_ =	shalt  }
0x69: {  	_ =	shalt  }
0x6a: {  	_ =	shalt  }
0x6b: {  	_ =	shalt  }
0x6c: {  	_ =	shalt  }
0x6d: {  	_ =	shalt  }
0x6e: {  	_ =	shalt  }
0x6f: {  	_ =	shalt  }
0x70: {  	_ =	shalt  }
0x71: {  	_ =	shalt  }
0x72: {  	_ =	shalt  }
0x73: {  	_ =	shalt  }
0x74: {  	_ =	shalt  }
0x75: {  	_ =	shalt  }
0x76: {  	_ =	shalt  }
0x77: {  	_ =	shalt  }
0x78: {  	_ =	shalt  }
0x79: {  	_ =	shalt  }
0x7a: {  	_ =	shalt  }
0x7b: {  	_ =	shalt  }
0x7c: {  	_ =	shalt  }
0x7d: {  	_ =	shalt  }
0x7e: {  	_ =	shalt  }
0x7f: {  	_ =	shalt  }
0x80: {  	_ =	shalt  }
0x81: {  	_ =	shalt  }
0x82: {  	_ =	shalt  }
0x83: {  	_ =	shalt  }
0x84: {  	_ =	shalt  }
0x85: {  	_ =	shalt  }
0x86: {  	_ =	shalt  }
0x87: {  	_ =	shalt  }
.Lfunc_end0:
.L_simem_size_0:
called_computation.1_lowered:
.L_overlay_start_0:
0x88: {  	s2 =	sld [smem:$0x3FD9]  }
0x89: {  	s3 =	sld [smem:$0x3FFE];
	_ =	sdelay $0x1  }
0x8a: {  	s1 =	srdreg.scid  }
0x8b: {  	s0 =	sand.u32 $0x1, s1  }
0x8c: {  	s16 =	sshll.u32 s0, $0xA;
	s2 =	sadd.s32 s3, s2  }
0x8d: {  	s2 =	sadd.s32 s2, s16  }
0x8e: {  	[smem:$0x3FB3] =	sst s2  }
0x8f: {  	_ = 	snop  }
0x90: {  	(tm) =	ssettm $0x1  }
0x91: {  	s17 =	sld [smem:$0x3FFB];
	_ =	sdelay $0x3  }
0x92: {  	_ =	strace s17  }
0x93: {  	s2 =	sld [smem:$0x3FFC];
	_ =	sdelay $0x3  }
0x94: {  	_ =	strace s2  }
0x95: {  	s2 =	sld [smem:$0x3FFD];
	_ =	sdelay $0x3  }
0x96: {  	_ =	strace s2  }
0x97: {  	_ =	strace $0x8FFFFFFF  }
0x98: {  	s18 =	sld [smem:$0x3FDB];
	_ =	sdelay $0x1  }
0x99: {  	s19 =	simm.s32 $_scs_section_size  }
0x9a: {  	s4 =	simm.s32 $_size__tile_overlayer_lowered;
	s5 =	simm.s32 $_tile_overlayer_lowered  }
0x9b: {  	s22 =	simm.s32 $0x1BFF;
	s21 =	sshll.u32 s5, $0x1;
	s2 =	sadd.s32 s19, s18  }
0x9c: {  	s6 =	simm.s32 $0x0;
	s20 =	sshll.u32 s4, $0x1;
	s4 =	sadd.s32 s21, s2  }
0x9d: {  	[timem:s6], [sflag:s22] =	dma.local [hbm:s4], s20  }
0x9e: {  	_ =	swait.ge [sflag:s22], s20  }
0x9f: {  	s3 =	ssub.s32 $0x0, s20;
	[sflag:s22] =	ssyncset.done $0x0  }
0xa0: {  	[sflag:s22] =	ssyncadd.s32 s3;
	_ =	sdelay $0x1  }
0xa1: {  	s23 =	simm.s32 $0x1B8B  }
0xa2: {  	_ =	swait.ge [sflag:s23], $0x1  }
0xa3: {  	[sflag:s23] =	ssyncset.done $0x0  }
0xa4: {  	s25 =	simm.s32 $0x1B8E;
	s24 =	sld [smem:$0x3FFE];
	[sflag:s23] =	ssyncadd.s32 $0xFFFFFFFF  }
0xa5: {  	s26 =	simm.s32 $execute0_lowered;
	[smem:$0x3FD2] =	sst s25  }
0xa6: {  	s4 =	sshll.u32 s26, $0x1;
	_ =	strace $0x80000046;
	[dreg:$0x1] =	wrdreg $0xFFFFFFFF  }
0xa7: {  	s28 =	simm.s32 $_size_execute0_lowered;
	s2 =	sadd.s32 s2, s4;
	[dreg:$0x0] =	wrdreg $0x0  }
0xa8: {  	s4 =	sshll.u32 s28, $0x1;
	[dreg:$0x2] =	wrdreg s2  }
0xa9: {  	[dreg:$0x3] =	wrdreg s4  }
0xaa: {  	[dreg:$0x4] =	wrdreg $0xC0  }
0xab: {  	_ =	task [dreg:s6], $0x5FFFF  }
0xac: {  	[dreg:$0x1] =	wrdreg $0xFFFFFFFF  }
0xad: {  	[dreg:$0x0] =	wrdreg $0x60  }
0xae: {  	[dreg:$0x2] =	wrdreg s24  }
0xaf: {  	[dreg:$0x3] =	wrdreg $0xA0000  }
0xb0: {  	[dreg:$0x4] =	wrdreg $0xA  }
0xb1: {  	_ =	task.clear_ibuf [dreg:s6], $0x5FFFF;
	_ =	strace $0x90000046  }
0xb2: {  	s29 =	simm.s32 $0xA;
	_ =	strace $0x80000048  }
0xb3: {  	_ =	swait.ge [sflag:s29], $0x1  }
0xb4: {  	[sflag:s29] =	ssyncadd.s32 $0xFFFFFFFF  }
0xb5: {  	_ =	strace $0x90000048  }
0xb6: {  	_ =	sfence  }
0xb7: {  	s30 =	sld [smem:$0x0];
	_ =	sdelay $0x2  }
0xb8: {  	s31 =	sshll.u32 s1, $0xD;
	s1 =	sshrl.u32 s1, $0x2  }
0xb9: {  	s3 =	sand.u32 $0x4000, s31;
	s1 =	sadd.s32 s1, s30  }
0xba: {  	s0 =	sor.u32 s3, s0;
	s1 =	sshll.u32 s1, $0x11  }
0xbb: {  	s0 =	sor.u32 s1, s0  }
0xbc: {  	s0 =	sadd.s32 $0x8F2B, s0  }
0xbd: {  	[sflag:s0] =	ssyncadd.remote.s32 $0x1  }
0xbe: {  	_ =	sfence.sel $0xFFFF  }
0xbf: {  	[dreg:$0x0] =	wrdreg $0xFFFFFFFF;
	(pc) =	sbr.abs _section_cstart, $3  }
0xc0: {  	[dreg:$0x1] =	wrdreg $0xFFFFFFFF  }
0xc1: {  	_ =	task.clear_ibuf [dreg:s6], $0x2FFFF;
	_ =	strace $0x9FFFFFFF  }
0xc2: {  	(tm) =	ssettm $0x7FFFFFFF  }
0xc3: {  	_ =	shalt  }
tec
execute0_lowered:
.L_overlay_start_1:
0x0: {  	(tag) =	ssettag $0x1  }
0x1: {  	s0 =	rddreg [dreg:$0x0]  }
0x2: {  	s1 =	rddreg [dreg:$0x1]  }
0x3: {  	s2 =	simm.s32 $0x0;
	s3 =	srdreg.scid;
	s14 =	stileid.u32  }
0x4: {  	s28 =	simm.s32 $0x80;
	s29 =	simm.s32 $0x2000;
	s8 =	smul.u32 $0x5000, s14  }
0x5: {  	s30 =	simm.s32 $0x1;
	s31 =	simm.s32 $0x6000;
	s12 =	smul.u32 $0x14000, s14  }
0x6: {  	[smem:$0x7FF] =	sst s2;
	s3 =	sand.u32 $0x1, s3;
	s15 =	smul.u32 $0x50000, s14  }
0x7: {  	s4 =	sadd.s32 $0x3800, s0;
	s5 =	sadd.s32 $0x65A00, s0;
	s13 =	smul.u32 $0x280, s14  }
0x8: {  	s6 =	sadd.s32 $0x51A00, s0;
	s10 =	sadd.s32 $0x79A00, s0;
	s17 =	smul.u32 $0x2800, s14  }
0x9: {  	s0 =	sadd.s32 $0xA1A00, s0;
	s21 =	sshll.u32 s14, $0x6;
	s7 =	smul.u32 $0x50000, s3  }
0xa: {  	_ =	strace $0x80000047;
	s9 =	ssub.s32 $0x2, s3;
	s3 =	smul.u32 $0x140000, s3  }
0xb: {  	s11 =	sshrl.u32 s9, $0x1;
	s20 =	sadd.s32 s10, s17;
	s22 =	sadd.s32 $0x80, s13  }
0xc: {  	s24 =	sadd.s32 $0x100, s13;
	s17 =	sadd.s32 $0x180, s13;
	s9 =	ssub.s32 s9, s11  }
0xd: {  	s7 =	sadd.s32 s8, s7;
	s16 =	sadd.s32 s3, s12;
	s11 =	sshrl.u32 s15, $0x2  }
0xe: {  	[dreg:$0x6] =	wrdreg s20;
	s12 =	sor.u32 $0x1C03, s21;
	s18 =	smax.u32 s9, $0x1  }
0xf: {  	s23 =	sshll.u32 s22, $0x7;
	s19 =	sadd.s32 s11, s1;
	[dreg:$0x4] =	wrdreg s18  }
0x10: {  	s26 =	sshll.u32 s24, $0x7;
	s25 =	sadd.s32 s23, s1;
	[dreg:$0x5] =	wrdreg s19  }
0x11: {  	s8 =	sshrl.u32 s16, $0x3;
	s15 =	sadd.s32 s26, s1;
	[dreg:$0x7] =	wrdreg s25  }
0x12: {  	s9 =	sshll.u32 s22, $0x4;
	s8 =	sadd.s32 s0, s8;
	[dreg:$0x9] =	wrdreg s15  }
0x13: {  	s16 =	sshll.u32 s24, $0x4;
	s9 =	sadd.s32 s10, s9;
	[dreg:$0x3] =	wrdreg s8  }
0x14: {  	s18 =	sadd.s32 $0x200, s13;
	s19 =	sshll.u32 s17, $0x7;
	[dreg:$0x8] =	wrdreg s9  }
0x15: {  	s9 =	sadd.s32 s10, s16;
	s15 =	sshll.u32 s18, $0x4;
	s8 =	sadd.s32 s3, s23  }
0x16: {  	s21 =	sadd.s32 s19, s1;
	s22 =	sshll.u32 s18, $0x7;
	s23 =	sadd.s32 s3, s26  }
0x17: {  	s24 =	sadd.s32 s3, s19;
	[dreg:$0xa] =	wrdreg s9;
	s9 =	sshll.u32 s17, $0x4  }
0x18: {  	s20 =	sadd.s32 s10, s15;
	[dreg:$0xd] =	wrdreg s21;
	s8 =	sshrl.u32 s8, $0x3  }
0x19: {  	s3 =	sadd.s32 s3, s22;
	s25 =	sshrl.u32 s23, $0x3;
	s26 =	sshrl.u32 s24, $0x3  }
0x1a: {  	s9 =	sadd.s32 s10, s9;
	[dreg:$0xc] =	wrdreg s20;
	s20 =	sadd.s32 s22, s1  }
0x1b: {  	s21 =	sadd.s32 s0, s8;
	s22 =	sadd.s32 s0, s25;
	s3 =	sshrl.u32 s3, $0x3  }
0x1c: {  	s23 =	sadd.s32 s0, s26;
	s25 =	simm.s32 $0x3;
	s26 =	simm.s32 $0x1000  }
0x1d: {  	s8 =	simm.s32 $0x1F00;
	[dreg:$0xb] =	wrdreg s9;
	s24 =	sadd.s32 s0, s3  }
0x1e: {  	s0 =	simm.s32 $0x2;
	s3 =	simm.s32 $0xF80;
	s9 =	simm.s32 $0x1F80  }
.LBB2_1:
0x1f: {  	s10 =	rddreg [dreg:$0x5]  }
0x20: {  	s11 =	rddreg [dreg:$0x6];
	s10 =	sshrl.u32 s10, $0x3  }
0x21: {  	[spmem:s10], [sflag:s12] =	dma.local [hbm:s11], $0x800  }
0x22: {  	_ =	swait.ge [sflag:s25], $0x800  }
0x23: {  	[sflag:s25] =	ssyncset.done $0x0;
	s17 =	rddreg [dreg:$0x7]  }
0x24: {  	s13 =	rddreg [dreg:$0x8];
	[sflag:s25] =	ssyncadd.s32 $0xFFFFF800;
	s11 =	sshrl.u32 s17, $0x3  }
0x25: {  	[spmem:s11], [sflag:s12] =	dma.local [hbm:s13], $0x800  }
0x26: {  	_ =	swait.ge [sflag:s25], $0x800  }
0x27: {  	[sflag:s25] =	ssyncset.done $0x0;
	s18 =	rddreg [dreg:$0x9]  }
0x28: {  	s14 =	rddreg [dreg:$0xa];
	[sflag:s25] =	ssyncadd.s32 $0xFFFFF800;
	s13 =	sshrl.u32 s18, $0x3  }
0x29: {  	[spmem:s13], [sflag:s12] =	dma.local [hbm:s14], $0x800  }
0x2a: {  	_ =	swait.ge [sflag:s25], $0x800  }
0x2b: {  	[sflag:s25] =	ssyncset.done $0x0;
	s19 =	rddreg [dreg:$0xd]  }
0x2c: {  	s15 =	rddreg [dreg:$0xb];
	[sflag:s25] =	ssyncadd.s32 $0xFFFFF800;
	s14 =	sshrl.u32 s19, $0x3  }
0x2d: {  	[spmem:s14], [sflag:s12] =	dma.local [hbm:s15], $0x800  }
0x2e: {  	_ =	swait.ge [sflag:s25], $0x800  }
0x2f: {  	[sflag:s25] =	ssyncset.done $0x0  }
0x30: {  	s15 =	sshrl.u32 s20, $0x3;
	s16 =	rddreg [dreg:$0xc];
	[sflag:s25] =	ssyncadd.s32 $0xFFFFF800  }
0x31: {  	[spmem:s15], [sflag:s12] =	dma.local [hbm:s16], $0x800  }
0x32: {  	_ =	swait.ge [sflag:s25], $0x800  }
0x33: {  	[sflag:s25] =	ssyncset.done $0x0  }
0x34: {  	[sflag:s25] =	ssyncadd.s32 $0xFFFFF800  }
0x35: {  	s16 =	simm.s32 $0x0;
	[bflag:$0x0] =	sbarrier.arrive $0xFFFF  }
.LBB2_2:
0x36: {  	s17 =	sshll.u32 s16, $0xC  }
0x37: {  	s17 =	sadd.s32 s17, s7  }
0x38: {  	s17 =	sshrl.u32 s17, $0x3  }
0x39: {  	s19 =	simm.s32 $0x0;
	s18 =	sadd.s32 s5, s17  }
0x3a: {  	[tilespmem:s19], [sflag:$0x3] =	stream.linear.gather [hbm4b:s18+s19], $0x1000, $0x38;
	[tilespmem:$0x1E000] =	vst v63  }
0x3b: {  	_ =	swait.ge [sflag:s25], $0x1000  }
0x3c: {  	[sflag:s25] =	ssyncset.done $0x0  }
0x3d: {  	s17 =	sadd.s32 s6, s17;
	[sflag:s25] =	ssyncadd.s32 $0xFFFFF000  }
0x3e: {  	[tilespmem:s26], [sflag:$0x3] =	stream.linear.gather [hbm4b:s17+s19], $0x1000, $0x38;
	[tilespmem:$0x1E000] =	vst v63  }
0x3f: {  	_ =	swait.ge [sflag:s25], $0x1000  }
0x40: {  	[sflag:s25] =	ssyncset.done $0x0  }
0x41: {  	[sflag:s25] =	ssyncadd.s32 $0xFFFFF000  }
0x42: {  	[tilespmem:s29], [sflag:$0x1] =	stream.indirect.gather [hbm4b:s4+s28], $0x80, s19, s28, $0xb8;
	[tilespmem:$0x1E000] =	vst v63  }
0x43: {  	_ =	swait.ge [sflag:s30], $0x4000  }
0x44: {  	[sflag:s30] =	ssyncset.done $0x0  }
0x45: {  	s18 =	simm.s32 $0x80;
	[sflag:s30] =	ssyncadd.s32 $0xFFFFC000  }
0x46: {  	[tilespmem:s31], [sflag:$0x2] =	stream.indirect.gather [hbm4b:s4+s28], $0x80, s18, s28, $0xb8;
	[tilespmem:$0x1E000] =	vst v63  }
0x47: {  	s19 =	simm.s32 $0x1000  }
0x48: {  	[spmem:s1] =	stream.indirect.scatter.add.f32 [tilespmem:s29], [sflag:$0x3], $0x80, s19, s28, $0xb8;
	[tilespmem:$0x1E000] =	vst v63  }
0x49: {  	_ =	swait.ge [sflag:s25], $0x4000  }
0x4a: {  	[sflag:s25] =	ssyncset.done $0x0  }
0x4b: {  	[sflag:s25] =	ssyncadd.s32 $0xFFFFC000  }
0x4c: {  	_ =	swait.ge [sflag:s0], $0x4000  }
0x4d: {  	[sflag:s0] =	ssyncset.done $0x0  }
0x4e: {  	s18 =	simm.s32 $0x100;
	[sflag:s0] =	ssyncadd.s32 $0xFFFFC000  }
0x4f: {  	[tilespmem:s29], [sflag:$0x1] =	stream.indirect.gather [hbm4b:s4+s28], $0x80, s18, s28, $0xb8;
	[tilespmem:$0x1E000] =	vst v63  }
0x50: {  	s19 =	simm.s32 $0x1080  }
0x51: {  	[spmem:s1] =	stream.indirect.scatter.add.f32 [tilespmem:s31], [sflag:$0x3], $0x80, s19, s28, $0xb8;
	[tilespmem:$0x1E000] =	vst v63  }
0x52: {  	_ =	swait.ge [sflag:s25], $0x4000  }
0x53: {  	s17 =	simm.s32 $0x400;
	[sflag:s25] =	ssyncset.done $0x0  }
.LBB2_3:
0x54: {  	p0 =	sne.s32 s17, $0x3800  }
0x55: {  	[sflag:s25] =	ssyncadd.s32 $0xFFFFC000;
	s18 =	smov.u32 s17;
	s17 =	sadd.s32 $0x400, s17  }
0x56: {  	_ = 	snop  }
0x57: {  	_ =	swait.ge [sflag:s30], $0x4000  }
0x58: {  	s18 =	sshra.s32 s18, $0x2;
	[sflag:s30] =	ssyncset.done $0x0  }
0x59: {  	s19 =	sadd.s32 $0x80, s18;
	[sflag:s30] =	ssyncadd.s32 $0xFFFFC000  }
0x5a: {  	[tilespmem:s31], [sflag:$0x2] =	stream.indirect.gather [hbm4b:s4+s28], $0x80, s19, s28, $0xb8;
	[tilespmem:$0x1E000] =	vst v63  }
0x5b: {  	s19 =	sadd.s32 $0x1000, s18  }
0x5c: {  	[spmem:s1] =	stream.indirect.scatter.add.f32 [tilespmem:s29], [sflag:$0x3], $0x80, s19, s28, $0xb8;
	[tilespmem:$0x1E000] =	vst v63  }
0x5d: {  	_ =	swait.ge [sflag:s25], $0x4000  }
0x5e: {  	[sflag:s25] =	ssyncset.done $0x0  }
0x5f: {  	[sflag:s25] =	ssyncadd.s32 $0xFFFFC000  }
0x60: {  	_ =	swait.ge [sflag:s0], $0x4000  }
0x61: {  	[sflag:s0] =	ssyncset.done $0x0  }
0x62: {  	s19 =	sadd.s32 $0x100, s18;
	[sflag:s0] =	ssyncadd.s32 $0xFFFFC000  }
0x63: {  	[tilespmem:s29], [sflag:$0x1] =	stream.indirect.gather [hbm4b:s4+s28], $0x80, s19, s28, $0xb8;
	[tilespmem:$0x1E000] =	vst v63  }
.Ltmp0:
0x64: {  	_ = 	snop;
	(pc) =	sbr.rel @p0 .LBB2_3-.Ltmp0, $4  }
0x65: {  	s18 =	sadd.s32 $0x1080, s18  }
0x66: {  	[spmem:s1] =	stream.indirect.scatter.add.f32 [tilespmem:s31], [sflag:$0x3], $0x80, s18, s28, $0xb8;
	[tilespmem:$0x1E000] =	vst v63  }
0x67: {  	_ =	swait.ge [sflag:s25], $0x4000  }
0x68: {  	[sflag:s25] =	ssyncset.done $0x0  }
0x69: {  	[sflag:s25] =	ssyncadd.s32 $0xFFFFC000  }
0x6a: {  	_ =	swait.ge [sflag:s30], $0x4000  }
0x6b: {  	[sflag:s30] =	ssyncset.done $0x0  }
0x6c: {  	[sflag:s30] =	ssyncadd.s32 $0xFFFFC000  }
0x6d: {  	[tilespmem:s31], [sflag:$0x2] =	stream.indirect.gather [hbm4b:s4+s28], $0x80, s3, s28, $0xb8;
	[tilespmem:$0x1E000] =	vst v63  }
0x6e: {  	_ = 	snop  }
0x6f: {  	[spmem:s1] =	stream.indirect.scatter.add.f32 [tilespmem:s29], [sflag:$0x3], $0x80, s8, s28, $0xb8;
	[tilespmem:$0x1E000] =	vst v63  }
0x70: {  	_ =	swait.ge [sflag:s25], $0x4000  }
0x71: {  	[sflag:s25] =	ssyncset.done $0x0  }
0x72: {  	[sflag:s25] =	ssyncadd.s32 $0xFFFFC000  }
0x73: {  	s16 =	sadd.s32 $0x1, s16;
	_ =	swait.ge [sflag:s0], $0x4000  }
0x74: {  	p0 =	sne.s32 s16, $0x5;
	[sflag:s0] =	ssyncset.done $0x0  }
.Ltmp1:
0x75: {  	[sflag:s0] =	ssyncadd.s32 $0xFFFFC000;
	(pc) =	sbr.rel @p0 .LBB2_2-.Ltmp1, $4  }
0x76: {  	[spmem:s1] =	stream.indirect.scatter.add.f32 [tilespmem:s31], [sflag:$0x3], $0x80, s9, s28, $0xb8;
	[tilespmem:$0x1E000] =	vst v63  }
0x77: {  	_ =	swait.ge [sflag:s25], $0x4000  }
0x78: {  	[sflag:s25] =	ssyncset.done $0x0  }
0x79: {  	[sflag:s25] =	ssyncadd.s32 $0xFFFFC000  }
0x7a: {  	[bflag:$0x0] =	sbarrier.arrive $0xFFFF  }
0x7b: {  	s16 =	rddreg [dreg:$0x3]  }
0x7c: {  	[hbm:s16], [sflag:s12] =	dma.local [spmem:s10], $0x800  }
0x7d: {  	_ =	swait.ge [sflag:s25], $0x800  }
0x7e: {  	[sflag:s25] =	ssyncset.done $0x0  }
0x7f: {  	[sflag:s25] =	ssyncadd.s32 $0xFFFFF800  }
0x80: {  	[hbm:s21], [sflag:s12] =	dma.local [spmem:s11], $0x800  }
0x81: {  	_ =	swait.ge [sflag:s25], $0x800  }
0x82: {  	[sflag:s25] =	ssyncset.done $0x0  }
0x83: {  	[sflag:s25] =	ssyncadd.s32 $0xFFFFF800  }
0x84: {  	[hbm:s22], [sflag:s12] =	dma.local [spmem:s13], $0x800  }
0x85: {  	_ =	swait.ge [sflag:s25], $0x800  }
0x86: {  	[sflag:s25] =	ssyncset.done $0x0  }
0x87: {  	[sflag:s25] =	ssyncadd.s32 $0xFFFFF800  }
0x88: {  	[hbm:s23], [sflag:s12] =	dma.local [spmem:s14], $0x800  }
0x89: {  	_ =	swait.ge [sflag:s25], $0x800  }
0x8a: {  	[sflag:s25] =	ssyncset.done $0x0  }
0x8b: {  	[sflag:s25] =	ssyncadd.s32 $0xFFFFF800  }
0x8c: {  	[hbm:s24], [sflag:s12] =	dma.local [spmem:s15], $0x800  }
0x8d: {  	_ =	swait.ge [sflag:s25], $0x800  }
0x8e: {  	s2 =	sadd.s32 $0x1, s2;
	s19 =	rddreg [dreg:$0x4]  }
0x8f: {  	p0 =	sne.s32 s2, s19  }
.Ltmp2:
0x90: {  	_ = 	snop;
	(pc) =	sbr.rel @p0 .LBB2_1-.Ltmp2, $3  }
0x91: {  	_ =	sdelay $0x1  }
0x92: {  	[sflag:s25] =	ssyncset.done $0x0  }
0x93: {  	[sflag:s25] =	ssyncadd.s32 $0xFFFFF800  }
0x94: {  	_ =	sfence.sel $0x180000  }
0x95: {  	[bflag:$0x0] =	sbarrier.arrive $0xFFFF  }
0x96: {  	_ =	strace $0x90000047  }
0x97: {  	s0 =	stileid.u32;
	[bflag:$0x2] =	sbarrier.arrive $0xFFFF  }
0x98: {  	p0 =	sne.s32 s0, $0x0;
	s0 =	rddreg [dreg:$0x2]  }
0x99: {  	s0 =	sadd.s32 @!p0 $0x100000, s0  }
0x9a: {  	[sflag:s0] =	ssyncadd.tile.s32 @!p0 $0x1;
	_ =	shalt  }
.Lfunc_end2:
_tile_overlayer_lowered:
.L_overlay_start_2:
0x9b: {  	(tag) =	ssettag $0x2  }
0x9c: {  	s0 =	rddreg [dreg:$0x0];
	s2 =	stileid.u32  }
0x9d: {  	s1 =	rddreg [dreg:$0x1];
	p0 =	sne.s32 s2, $0x0  }
0x9e: {  	s3 =	rddreg [dreg:$0x2];
	[bflag:$0x3] =	sbarrier.arrive $0xFFFF;
	s2 =	simm.s32 @!p0 $0x1C03  }
0x9f: {  	[timem:s3], [sflag:s2] =	dma.local @!p0 [hbm:s0], s1  }
0xa0: {  	s0 =	simm.s32 @!p0 $0x3  }
0xa1: {  	_ =	swait.ge @!p0 [sflag:s0], s1  }
0xa2: {  	s1 =	ssub.s32 @!p0 $0x0, s1;
	[sflag:s0] =	ssyncset.done @!p0 $0x0  }
0xa3: {  	[sflag:s0] =	ssyncadd.s32 @!p0 s1  }
0xa4: {  	[bflag:$0x3] =	sbarrier.arrive $0xFFFF  }
0xa5: {  	_ =	shalt  }

// kernel: kernel.15.cloned.1.call-start
scs
__scs_entry_jumppad:
0x0: {  	(pc) =	sbr.rel $0x88, $3  }
0x1: {  	(tag) =	ssettag $0x0;
	lr =	simm.s32 $0x1  }
0x2: {  	[smem:$0x3F8C] =	sst lr;
	_ =	strace $0xD0000000  }
0x3: {  	_ = 	snop  }
0x4: {  	_ = 	snop  }
0x5: {  	_ = 	snop  }
0x6: {  	_ = 	snop  }
0x7: {  	_ = 	snop  }
__scs_overlays_trampoline_lowered:
0x8: {  	[smem:$0x3F9B] =	sst s0  }
0x9: {  	[smem:$0x3F9C] =	sst s1  }
0xa: {  	[smem:$0x3F9D] =	sst s2  }
0xb: {  	[smem:$0x3F9E] =	sst s3  }
0xc: {  	[smem:$0x3F9F] =	sst s4  }
0xd: {  	[smem:$0x3FA0] =	sst s5  }
0xe: {  	[smem:$0x3FA1] =	sst s6  }
0xf: {  	[smem:$0x3FA2] =	sst s7  }
0x10: {  	[smem:$0x3FA3] =	sst s8  }
0x11: {  	[smem:$0x3FA4] =	sst s9;
	s0 =	simm.s32 @!p0 $0x0  }
0x12: {  	s1 =	sld [smem:$0x3F8A];
	s0 =	simm.s32 @p0 $0x1  }
0x13: {  	[smem:$0x3FA5] =	sst s0;
	s0 =	simm.s32 @!p1 $0x0  }
0x14: {  	s2 =	sld [smem:$0x3F89];
	s0 =	simm.s32 @p1 $0x1  }
0x15: {  	[smem:$0x3FA6] =	sst s0;
	s0 =	simm.s32 @!p2 $0x0  }
0x16: {  	s3 =	sld [smem:$0x3FDB];
	s0 =	simm.s32 @p2 $0x1  }
0x17: {  	s4 =	simm.s32 $0x1BF5;
	[smem:$0x3FA8] =	sst s0  }
0x18: {  	s0 =	sld [smem:$0x3F8B];
	_ =	swait.ge [sflag:s4], $0x0  }
0x19: {  	s7 =	sld [smem:$0x3F8C]  }
0x1a: {  	s8 =	sadd.s32 $0xFFFFE003, lr  }
0x1b: {  	s9 =	sadd.s32 $0xFFFFFEF7, lr;
	s5 =	simm.s32 $0xFFFFFFFF;
	p2 =	slt.u32 s8, $0xFFFFF086  }
0x1c: {  	p1 =	slt.u32 s9, $0xF7A;
	s5 =	simm.s32 @!p2 $0x0  }
0x1d: {  	s5 =	simm.s32 @p1 $0x1;
	p0 =	seq.s32 s7, s2  }
0x1e: {  	s7 =	smul.u32 @!p0 $0xF7A, s2;
	p2 =	seq.s32 @!p0 s5, $0x0  }
0x1f: {  	s9 =	smul.u32 $0xF7A, s1;
	s8 =	simm.s32 @!p0 $0x1BF5;
	p2 =	por !p2, p0  }
0x20: {  	[sflag:s8] =	ssyncset.s32 @!p0 $0xFFFFF086;
	s6 =	sadd.s32 @!p0 s3, s7;
	s7 =	simm.s32 @!p0 $0x108  }
0x21: {  	s3 =	sadd.s32 s3, s9;
	s6 =	sadd.s32 @!p0 $0x88, s6;
	s7 =	simm.s32 @p2 $0x1082  }
0x22: {  	[simem:s7], [sflag:s8] =	dma.local @!p0 [hbm:s6], $0xF7A  }
0x23: {  	s9 =	sor.u32 $0xD0000000, s2;
	s6 =	simm.s32 $0x108;
	_ =	swait.ge @!p0 [sflag:s8], $0x0  }
0x24: {  	s3 =	sadd.s32 $0x88, s3;
	s6 =	simm.s32 @!p1 $0x1082;
	[sflag:s4] =	ssyncset.s32 $0xFFFFF086  }
0x25: {  	[simem:s6], [sflag:s4] =	dma.local [hbm:s3], $0xF7A  }
0x26: {  	[smem:$0x3F8C] =	sst s1;
	(tag) =	ssettag s2;
	_ =	strace s9  }
0x27: {  	s1 =	sld [smem:$0x3F9C]  }
0x28: {  	s2 =	sld [smem:$0x3F9D]  }
0x29: {  	s4 =	sld [smem:$0x3F9F]  }
0x2a: {  	p0 =	seq.s32 s5, $0x0;
	s5 =	sld [smem:$0x3FA0]  }
0x2b: {  	s6 =	sld [smem:$0x3FA1]  }
0x2c: {  	s7 =	sld [smem:$0x3FA2]  }
0x2d: {  	s3 =	simm.s32 $0x108;
	s8 =	sld [smem:$0x3FA3]  }
0x2e: {  	s3 =	simm.s32 @!p0 $0x1082;
	s9 =	sld [smem:$0x3FA4]  }
0x2f: {  	lr =	sadd.s32 s0, s3;
	s0 =	sld [smem:$0x3F9B]  }
0x30: {  	s3 =	sld [smem:$0x3F9E]  }
0x31: {  	[smem:$0x3FA7] =	sst s10  }
0x32: {  	s10 =	sld [smem:$0x3FA5];
	_ =	sdelay $0x3  }
0x33: {  	p0 =	seq.s32 s10, $0x1;
	s10 =	sld [smem:$0x3FA7];
	_ =	sdelay $0x3  }
0x34: {  	[smem:$0x3FA7] =	sst s10  }
0x35: {  	s10 =	sld [smem:$0x3FA6];
	_ =	sdelay $0x3  }
0x36: {  	p1 =	seq.s32 s10, $0x1;
	s10 =	sld [smem:$0x3FA7];
	_ =	sdelay $0x3  }
0x37: {  	[smem:$0x3FA7] =	sst s10  }
0x38: {  	s10 =	sld [smem:$0x3FA8]  }
0x39: {  	_ = 	snop;
	(pc) =	sbr.ind lr, $3  }
0x3a: {  	_ = 	snop  }
0x3b: {  	_ = 	snop  }
0x3c: {  	p2 =	seq.s32 s10, $0x1;
	s10 =	sld [smem:$0x3FA7]  }
0x3d: {  	_ =	shalt  }
0x3e: {  	_ =	shalt  }
0x3f: {  	_ =	shalt  }
0x40: {  	_ =	shalt  }
0x41: {  	_ =	shalt  }
0x42: {  	_ =	shalt  }
0x43: {  	_ =	shalt  }
0x44: {  	_ =	shalt  }
0x45: {  	_ =	shalt  }
0x46: {  	_ =	shalt  }
0x47: {  	_ =	shalt  }
0x48: {  	_ =	shalt  }
0x49: {  	_ =	shalt  }
0x4a: {  	_ =	shalt  }
0x4b: {  	_ =	shalt  }
0x4c: {  	_ =	shalt  }
0x4d: {  	_ =	shalt  }
0x4e: {  	_ =	shalt  }
0x4f: {  	_ =	shalt  }
0x50: {  	_ =	shalt  }
0x51: {  	_ =	shalt  }
0x52: {  	_ =	shalt  }
0x53: {  	_ =	shalt  }
0x54: {  	_ =	shalt  }
0x55: {  	_ =	shalt  }
0x56: {  	_ =	shalt  }
0x57: {  	_ =	shalt  }
0x58: {  	_ =	shalt  }
0x59: {  	_ =	shalt  }
0x5a: {  	_ =	shalt  }
0x5b: {  	_ =	shalt  }
0x5c: {  	_ =	shalt  }
0x5d: {  	_ =	shalt  }
0x5e: {  	_ =	shalt  }
0x5f: {  	_ =	shalt  }
0x60: {  	_ =	shalt  }
0x61: {  	_ =	shalt  }
0x62: {  	_ =	shalt  }
0x63: {  	_ =	shalt  }
0x64: {  	_ =	shalt  }
0x65: {  	_ =	shalt  }
0x66: {  	_ =	shalt  }
0x67: {  	_ =	shalt  }
0x68: {  	_ =	shalt  }
0x69: {  	_ =	shalt  }
0x6a: {  	_ =	shalt  }
0x6b: {  	_ =	shalt  }
0x6c: {  	_ =	shalt  }
0x6d: {  	_ =	shalt  }
0x6e: {  	_ =	shalt  }
0x6f: {  	_ =	shalt  }
0x70: {  	_ =	shalt  }
0x71: {  	_ =	shalt  }
0x72: {  	_ =	shalt  }
0x73: {  	_ =	shalt  }
0x74: {  	_ =	shalt  }
0x75: {  	_ =	shalt  }
0x76: {  	_ =	shalt  }
0x77: {  	_ =	shalt  }
0x78: {  	_ =	shalt  }
0x79: {  	_ =	shalt  }
0x7a: {  	_ =	shalt  }
0x7b: {  	_ =	shalt  }
0x7c: {  	_ =	shalt  }
0x7d: {  	_ =	shalt  }
0x7e: {  	_ =	shalt  }
0x7f: {  	_ =	shalt  }
0x80: {  	_ =	shalt  }
0x81: {  	_ =	shalt  }
0x82: {  	_ =	shalt  }
0x83: {  	_ =	shalt  }
0x84: {  	_ =	shalt  }
0x85: {  	_ =	shalt  }
0x86: {  	_ =	shalt  }
0x87: {  	_ =	shalt  }
.Lfunc_end0:
.L_simem_size_0:
called_computation.2_lowered:
.L_overlay_start_0:
0x88: {  	s2 =	sld [smem:$0x3FD9]  }
0x89: {  	s3 =	sld [smem:$0x3FFE];
	_ =	sdelay $0x1  }
0x8a: {  	s1 =	srdreg.scid  }
0x8b: {  	s0 =	sand.u32 $0x1, s1  }
0x8c: {  	s16 =	sshll.u32 s0, $0xA;
	s2 =	sadd.s32 s3, s2  }
0x8d: {  	s2 =	sadd.s32 s2, s16  }
0x8e: {  	[smem:$0x3FB3] =	sst s2  }
0x8f: {  	_ = 	snop  }
0x90: {  	(tm) =	ssettm $0x1  }
0x91: {  	s17 =	sld [smem:$0x3FFB];
	_ =	sdelay $0x3  }
0x92: {  	_ =	strace s17  }
0x93: {  	s2 =	sld [smem:$0x3FFC];
	_ =	sdelay $0x3  }
0x94: {  	_ =	strace s2  }
0x95: {  	s2 =	sld [smem:$0x3FFD];
	_ =	sdelay $0x3  }
0x96: {  	_ =	strace s2  }
0x97: {  	_ =	strace $0x8FFFFFFF  }
0x98: {  	s18 =	sld [smem:$0x3FDB];
	_ =	sdelay $0x1  }
0x99: {  	s19 =	simm.s32 $_scs_section_size  }
0x9a: {  	s4 =	simm.s32 $_size__tile_overlayer_lowered;
	s5 =	simm.s32 $_tile_overlayer_lowered  }
0x9b: {  	s22 =	simm.s32 $0x1BFF;
	s21 =	sshll.u32 s5, $0x1;
	s2 =	sadd.s32 s19, s18  }
0x9c: {  	s6 =	simm.s32 $0x0;
	s20 =	sshll.u32 s4, $0x1;
	s4 =	sadd.s32 s21, s2  }
0x9d: {  	[timem:s6], [sflag:s22] =	dma.local [hbm:s4], s20  }
0x9e: {  	_ =	swait.ge [sflag:s22], s20  }
0x9f: {  	s3 =	ssub.s32 $0x0, s20;
	[sflag:s22] =	ssyncset.done $0x0  }
0xa0: {  	[sflag:s22] =	ssyncadd.s32 s3;
	_ =	sdelay $0x1  }
0xa1: {  	s23 =	simm.s32 $0x1B8B  }
0xa2: {  	_ =	swait.ge [sflag:s23], $0x1  }
0xa3: {  	[sflag:s23] =	ssyncset.done $0x0  }
0xa4: {  	s25 =	simm.s32 $0x1B8E;
	s24 =	sld [smem:$0x3FFE];
	[sflag:s23] =	ssyncadd.s32 $0xFFFFFFFF  }
0xa5: {  	s26 =	simm.s32 $execute0_lowered;
	[smem:$0x3FD2] =	sst s25  }
0xa6: {  	s4 =	sshll.u32 s26, $0x1;
	_ =	strace $0x8000004C;
	[dreg:$0x1] =	wrdreg $0xFFFFFFFF  }
0xa7: {  	s28 =	simm.s32 $_size_execute0_lowered;
	s2 =	sadd.s32 s2, s4;
	[dreg:$0x0] =	wrdreg $0x0  }
0xa8: {  	s4 =	sshll.u32 s28, $0x1;
	[dreg:$0x2] =	wrdreg s2  }
0xa9: {  	[dreg:$0x3] =	wrdreg s4  }
0xaa: {  	[dreg:$0x4] =	wrdreg $0xC0  }
0xab: {  	_ =	task [dreg:s6], $0x5FFFF  }
0xac: {  	[dreg:$0x1] =	wrdreg $0xFFFFFFFF  }
0xad: {  	[dreg:$0x0] =	wrdreg $0x60  }
0xae: {  	[dreg:$0x2] =	wrdreg s24  }
0xaf: {  	[dreg:$0x3] =	wrdreg $0xA0000  }
0xb0: {  	[dreg:$0x4] =	wrdreg $0x9  }
0xb1: {  	_ =	task.clear_ibuf [dreg:s6], $0x5FFFF;
	_ =	strace $0x9000004C  }
0xb2: {  	s29 =	simm.s32 $0x9;
	_ =	strace $0x8000004E  }
0xb3: {  	_ =	swait.ge [sflag:s29], $0x1  }
0xb4: {  	[sflag:s29] =	ssyncadd.s32 $0xFFFFFFFF  }
0xb5: {  	_ =	strace $0x9000004E  }
0xb6: {  	_ =	sfence  }
0xb7: {  	s30 =	sld [smem:$0x0];
	_ =	sdelay $0x2  }
0xb8: {  	s31 =	sshll.u32 s1, $0xD;
	s1 =	sshrl.u32 s1, $0x2  }
0xb9: {  	s3 =	sand.u32 $0x4000, s31;
	s1 =	sadd.s32 s1, s30  }
0xba: {  	s0 =	sor.u32 s3, s0;
	s1 =	sshll.u32 s1, $0x11  }
0xbb: {  	s0 =	sor.u32 s1, s0  }
0xbc: {  	s0 =	sadd.s32 $0x8F2B, s0  }
0xbd: {  	[sflag:s0] =	ssyncadd.remote.s32 $0x1  }
0xbe: {  	_ =	sfence.sel $0xFFFF  }
0xbf: {  	[dreg:$0x0] =	wrdreg $0xFFFFFFFF;
	(pc) =	sbr.abs _section_cstart, $3  }
0xc0: {  	[dreg:$0x1] =	wrdreg $0xFFFFFFFF  }
0xc1: {  	_ =	task.clear_ibuf [dreg:s6], $0x2FFFF;
	_ =	strace $0x9FFFFFFF  }
0xc2: {  	(tm) =	ssettm $0x7FFFFFFF  }
0xc3: {  	_ =	shalt  }
tec
execute0_lowered:
.L_overlay_start_1:
0x0: {  	(tag) =	ssettag $0x1  }
0x1: {  	s0 =	rddreg [dreg:$0x0]  }
0x2: {  	s1 =	rddreg [dreg:$0x1]  }
0x3: {  	s2 =	simm.s32 $0x0;
	s3 =	srdreg.scid;
	s14 =	stileid.u32  }
0x4: {  	s28 =	simm.s32 $0x80;
	s29 =	simm.s32 $0x2000;
	s8 =	smul.u32 $0x5000, s14  }
0x5: {  	s30 =	simm.s32 $0x1;
	s31 =	simm.s32 $0x6000;
	s12 =	smul.u32 $0x14000, s14  }
0x6: {  	[smem:$0x7FF] =	sst s2;
	s3 =	sand.u32 $0x1, s3;
	s15 =	smul.u32 $0x50000, s14  }
0x7: {  	s4 =	sadd.s32 $0x3800, s0;
	s5 =	sadd.s32 $0x65A00, s0;
	s13 =	smul.u32 $0x280, s14  }
0x8: {  	s6 =	sadd.s32 $0x51A00, s0;
	s10 =	sadd.s32 $0x79A00, s0;
	s17 =	smul.u32 $0x2800, s14  }
0x9: {  	s0 =	sadd.s32 $0xA1A00, s0;
	s21 =	sshll.u32 s14, $0x6;
	s7 =	smul.u32 $0x50000, s3  }
0xa: {  	_ =	strace $0x8000004D;
	s9 =	ssub.s32 $0x2, s3;
	s3 =	smul.u32 $0x140000, s3  }
0xb: {  	s11 =	sshrl.u32 s9, $0x1;
	s20 =	sadd.s32 s10, s17;
	s22 =	sadd.s32 $0x80, s13  }
0xc: {  	s24 =	sadd.s32 $0x100, s13;
	s17 =	sadd.s32 $0x180, s13;
	s9 =	ssub.s32 s9, s11  }
0xd: {  	s7 =	sadd.s32 s8, s7;
	s16 =	sadd.s32 s3, s12;
	s11 =	sshrl.u32 s15, $0x2  }
0xe: {  	[dreg:$0x6] =	wrdreg s20;
	s12 =	sor.u32 $0x1C03, s21;
	s18 =	smax.u32 s9, $0x1  }
0xf: {  	s23 =	sshll.u32 s22, $0x7;
	s19 =	sadd.s32 s11, s1;
	[dreg:$0x4] =	wrdreg s18  }
0x10: {  	s26 =	sshll.u32 s24, $0x7;
	s25 =	sadd.s32 s23, s1;
	[dreg:$0x5] =	wrdreg s19  }
0x11: {  	s8 =	sshrl.u32 s16, $0x3;
	s15 =	sadd.s32 s26, s1;
	[dreg:$0x7] =	wrdreg s25  }
0x12: {  	s9 =	sshll.u32 s22, $0x4;
	s8 =	sadd.s32 s0, s8;
	[dreg:$0x9] =	wrdreg s15  }
0x13: {  	s16 =	sshll.u32 s24, $0x4;
	s9 =	sadd.s32 s10, s9;
	[dreg:$0x3] =	wrdreg s8  }
0x14: {  	s18 =	sadd.s32 $0x200, s13;
	s19 =	sshll.u32 s17, $0x7;
	[dreg:$0x8] =	wrdreg s9  }
0x15: {  	s9 =	sadd.s32 s10, s16;
	s15 =	sshll.u32 s18, $0x4;
	s8 =	sadd.s32 s3, s23  }
0x16: {  	s21 =	sadd.s32 s19, s1;
	s22 =	sshll.u32 s18, $0x7;
	s23 =	sadd.s32 s3, s26  }
0x17: {  	s24 =	sadd.s32 s3, s19;
	[dreg:$0xa] =	wrdreg s9;
	s9 =	sshll.u32 s17, $0x4  }
0x18: {  	s20 =	sadd.s32 s10, s15;
	[dreg:$0xd] =	wrdreg s21;
	s8 =	sshrl.u32 s8, $0x3  }
0x19: {  	s3 =	sadd.s32 s3, s22;
	s25 =	sshrl.u32 s23, $0x3;
	s26 =	sshrl.u32 s24, $0x3  }
0x1a: {  	s9 =	sadd.s32 s10, s9;
	[dreg:$0xc] =	wrdreg s20;
	s20 =	sadd.s32 s22, s1  }
0x1b: {  	s21 =	sadd.s32 s0, s8;
	s22 =	sadd.s32 s0, s25;
	s3 =	sshrl.u32 s3, $0x3  }
0x1c: {  	s23 =	sadd.s32 s0, s26;
	s25 =	simm.s32 $0x3;
	s26 =	simm.s32 $0x1000  }
0x1d: {  	s8 =	simm.s32 $0x1F00;
	[dreg:$0xb] =	wrdreg s9;
	s24 =	sadd.s32 s0, s3  }
0x1e: {  	s0 =	simm.s32 $0x2;
	s3 =	simm.s32 $0xF80;
	s9 =	simm.s32 $0x1F80  }
.LBB2_1:
0x1f: {  	s10 =	rddreg [dreg:$0x5]  }
0x20: {  	s11 =	rddreg [dreg:$0x6];
	s10 =	sshrl.u32 s10, $0x3  }
0x21: {  	[spmem:s10], [sflag:s12] =	dma.local [hbm:s11], $0x800  }
0x22: {  	_ =	swait.ge [sflag:s25], $0x800  }
0x23: {  	[sflag:s25] =	ssyncset.done $0x0;
	s17 =	rddreg [dreg:$0x7]  }
0x24: {  	s13 =	rddreg [dreg:$0x8];
	[sflag:s25] =	ssyncadd.s32 $0xFFFFF800;
	s11 =	sshrl.u32 s17, $0x3  }
0x25: {  	[spmem:s11], [sflag:s12] =	dma.local [hbm:s13], $0x800  }
0x26: {  	_ =	swait.ge [sflag:s25], $0x800  }
0x27: {  	[sflag:s25] =	ssyncset.done $0x0;
	s18 =	rddreg [dreg:$0x9]  }
0x28: {  	s14 =	rddreg [dreg:$0xa];
	[sflag:s25] =	ssyncadd.s32 $0xFFFFF800;
	s13 =	sshrl.u32 s18, $0x3  }
0x29: {  	[spmem:s13], [sflag:s12] =	dma.local [hbm:s14], $0x800  }
0x2a: {  	_ =	swait.ge [sflag:s25], $0x800  }
0x2b: {  	[sflag:s25] =	ssyncset.done $0x0;
	s19 =	rddreg [dreg:$0xd]  }
0x2c: {  	s15 =	rddreg [dreg:$0xb];
	[sflag:s25] =	ssyncadd.s32 $0xFFFFF800;
	s14 =	sshrl.u32 s19, $0x3  }
0x2d: {  	[spmem:s14], [sflag:s12] =	dma.local [hbm:s15], $0x800  }
0x2e: {  	_ =	swait.ge [sflag:s25], $0x800  }
0x2f: {  	[sflag:s25] =	ssyncset.done $0x0  }
0x30: {  	s15 =	sshrl.u32 s20, $0x3;
	s16 =	rddreg [dreg:$0xc];
	[sflag:s25] =	ssyncadd.s32 $0xFFFFF800  }
0x31: {  	[spmem:s15], [sflag:s12] =	dma.local [hbm:s16], $0x800  }
0x32: {  	_ =	swait.ge [sflag:s25], $0x800  }
0x33: {  	[sflag:s25] =	ssyncset.done $0x0  }
0x34: {  	[sflag:s25] =	ssyncadd.s32 $0xFFFFF800  }
0x35: {  	s16 =	simm.s32 $0x0;
	[bflag:$0x0] =	sbarrier.arrive $0xFFFF  }
.LBB2_2:
0x36: {  	s17 =	sshll.u32 s16, $0xC  }
0x37: {  	s17 =	sadd.s32 s17, s7  }
0x38: {  	s17 =	sshrl.u32 s17, $0x3  }
0x39: {  	s19 =	simm.s32 $0x0;
	s18 =	sadd.s32 s5, s17  }
0x3a: {  	[tilespmem:s19], [sflag:$0x3] =	stream.linear.gather [hbm4b:s18+s19], $0x1000, $0x38;
	[tilespmem:$0x1E000] =	vst v63  }
0x3b: {  	_ =	swait.ge [sflag:s25], $0x1000  }
0x3c: {  	[sflag:s25] =	ssyncset.done $0x0  }
0x3d: {  	s17 =	sadd.s32 s6, s17;
	[sflag:s25] =	ssyncadd.s32 $0xFFFFF000  }
0x3e: {  	[tilespmem:s26], [sflag:$0x3] =	stream.linear.gather [hbm4b:s17+s19], $0x1000, $0x38;
	[tilespmem:$0x1E000] =	vst v63  }
0x3f: {  	_ =	swait.ge [sflag:s25], $0x1000  }
0x40: {  	[sflag:s25] =	ssyncset.done $0x0  }
0x41: {  	[sflag:s25] =	ssyncadd.s32 $0xFFFFF000  }
0x42: {  	[tilespmem:s29], [sflag:$0x1] =	stream.indirect.gather [hbm4b:s4+s28], $0x80, s19, s28, $0xb8;
	[tilespmem:$0x1E000] =	vst v63  }
0x43: {  	_ =	swait.ge [sflag:s30], $0x4000  }
0x44: {  	[sflag:s30] =	ssyncset.done $0x0  }
0x45: {  	s18 =	simm.s32 $0x80;
	[sflag:s30] =	ssyncadd.s32 $0xFFFFC000  }
0x46: {  	[tilespmem:s31], [sflag:$0x2] =	stream.indirect.gather [hbm4b:s4+s28], $0x80, s18, s28, $0xb8;
	[tilespmem:$0x1E000] =	vst v63  }
0x47: {  	s19 =	simm.s32 $0x1000  }
0x48: {  	[spmem:s1] =	stream.indirect.scatter.add.f32 [tilespmem:s29], [sflag:$0x3], $0x80, s19, s28, $0xb8;
	[tilespmem:$0x1E000] =	vst v63  }
0x49: {  	_ =	swait.ge [sflag:s25], $0x4000  }
0x4a: {  	[sflag:s25] =	ssyncset.done $0x0  }
0x4b: {  	[sflag:s25] =	ssyncadd.s32 $0xFFFFC000  }
0x4c: {  	_ =	swait.ge [sflag:s0], $0x4000  }
0x4d: {  	[sflag:s0] =	ssyncset.done $0x0  }
0x4e: {  	s18 =	simm.s32 $0x100;
	[sflag:s0] =	ssyncadd.s32 $0xFFFFC000  }
0x4f: {  	[tilespmem:s29], [sflag:$0x1] =	stream.indirect.gather [hbm4b:s4+s28], $0x80, s18, s28, $0xb8;
	[tilespmem:$0x1E000] =	vst v63  }
0x50: {  	s19 =	simm.s32 $0x1080  }
0x51: {  	[spmem:s1] =	stream.indirect.scatter.add.f32 [tilespmem:s31], [sflag:$0x3], $0x80, s19, s28, $0xb8;
	[tilespmem:$0x1E000] =	vst v63  }
0x52: {  	_ =	swait.ge [sflag:s25], $0x4000  }
0x53: {  	s17 =	simm.s32 $0x400;
	[sflag:s25] =	ssyncset.done $0x0  }
.LBB2_3:
0x54: {  	p0 =	sne.s32 s17, $0x3800  }
0x55: {  	[sflag:s25] =	ssyncadd.s32 $0xFFFFC000;
	s18 =	smov.u32 s17;
	s17 =	sadd.s32 $0x400, s17  }
0x56: {  	_ = 	snop  }
0x57: {  	_ =	swait.ge [sflag:s30], $0x4000  }
0x58: {  	s18 =	sshra.s32 s18, $0x2;
	[sflag:s30] =	ssyncset.done $0x0  }
0x59: {  	s19 =	sadd.s32 $0x80, s18;
	[sflag:s30] =	ssyncadd.s32 $0xFFFFC000  }
0x5a: {  	[tilespmem:s31], [sflag:$0x2] =	stream.indirect.gather [hbm4b:s4+s28], $0x80, s19, s28, $0xb8;
	[tilespmem:$0x1E000] =	vst v63  }
0x5b: {  	s19 =	sadd.s32 $0x1000, s18  }
0x5c: {  	[spmem:s1] =	stream.indirect.scatter.add.f32 [tilespmem:s29], [sflag:$0x3], $0x80, s19, s28, $0xb8;
	[tilespmem:$0x1E000] =	vst v63  }
0x5d: {  	_ =	swait.ge [sflag:s25], $0x4000  }
0x5e: {  	[sflag:s25] =	ssyncset.done $0x0  }
0x5f: {  	[sflag:s25] =	ssyncadd.s32 $0xFFFFC000  }
0x60: {  	_ =	swait.ge [sflag:s0], $0x4000  }
0x61: {  	[sflag:s0] =	ssyncset.done $0x0  }
0x62: {  	s19 =	sadd.s32 $0x100, s18;
	[sflag:s0] =	ssyncadd.s32 $0xFFFFC000  }
0x63: {  	[tilespmem:s29], [sflag:$0x1] =	stream.indirect.gather [hbm4b:s4+s28], $0x80, s19, s28, $0xb8;
	[tilespmem:$0x1E000] =	vst v63  }
.Ltmp0:
0x64: {  	_ = 	snop;
	(pc) =	sbr.rel @p0 .LBB2_3-.Ltmp0, $4  }
0x65: {  	s18 =	sadd.s32 $0x1080, s18  }
0x66: {  	[spmem:s1] =	stream.indirect.scatter.add.f32 [tilespmem:s31], [sflag:$0x3], $0x80, s18, s28, $0xb8;
	[tilespmem:$0x1E000] =	vst v63  }
0x67: {  	_ =	swait.ge [sflag:s25], $0x4000  }
0x68: {  	[sflag:s25] =	ssyncset.done $0x0  }
0x69: {  	[sflag:s25] =	ssyncadd.s32 $0xFFFFC000  }
0x6a: {  	_ =	swait.ge [sflag:s30], $0x4000  }
0x6b: {  	[sflag:s30] =	ssyncset.done $0x0  }
0x6c: {  	[sflag:s30] =	ssyncadd.s32 $0xFFFFC000  }
0x6d: {  	[tilespmem:s31], [sflag:$0x2] =	stream.indirect.gather [hbm4b:s4+s28], $0x80, s3, s28, $0xb8;
	[tilespmem:$0x1E000] =	vst v63  }
0x6e: {  	_ = 	snop  }
0x6f: {  	[spmem:s1] =	stream.indirect.scatter.add.f32 [tilespmem:s29], [sflag:$0x3], $0x80, s8, s28, $0xb8;
	[tilespmem:$0x1E000] =	vst v63  }
0x70: {  	_ =	swait.ge [sflag:s25], $0x4000  }
0x71: {  	[sflag:s25] =	ssyncset.done $0x0  }
0x72: {  	[sflag:s25] =	ssyncadd.s32 $0xFFFFC000  }
0x73: {  	s16 =	sadd.s32 $0x1, s16;
	_ =	swait.ge [sflag:s0], $0x4000  }
0x74: {  	p0 =	sne.s32 s16, $0x5;
	[sflag:s0] =	ssyncset.done $0x0  }
.Ltmp1:
0x75: {  	[sflag:s0] =	ssyncadd.s32 $0xFFFFC000;
	(pc) =	sbr.rel @p0 .LBB2_2-.Ltmp1, $4  }
0x76: {  	[spmem:s1] =	stream.indirect.scatter.add.f32 [tilespmem:s31], [sflag:$0x3], $0x80, s9, s28, $0xb8;
	[tilespmem:$0x1E000] =	vst v63  }
0x77: {  	_ =	swait.ge [sflag:s25], $0x4000  }
0x78: {  	[sflag:s25] =	ssyncset.done $0x0  }
0x79: {  	[sflag:s25] =	ssyncadd.s32 $0xFFFFC000  }
0x7a: {  	[bflag:$0x0] =	sbarrier.arrive $0xFFFF  }
0x7b: {  	s16 =	rddreg [dreg:$0x3]  }
0x7c: {  	[hbm:s16], [sflag:s12] =	dma.local [spmem:s10], $0x800  }
0x7d: {  	_ =	swait.ge [sflag:s25], $0x800  }
0x7e: {  	[sflag:s25] =	ssyncset.done $0x0  }
0x7f: {  	[sflag:s25] =	ssyncadd.s32 $0xFFFFF800  }
0x80: {  	[hbm:s21], [sflag:s12] =	dma.local [spmem:s11], $0x800  }
0x81: {  	_ =	swait.ge [sflag:s25], $0x800  }
0x82: {  	[sflag:s25] =	ssyncset.done $0x0  }
0x83: {  	[sflag:s25] =	ssyncadd.s32 $0xFFFFF800  }
0x84: {  	[hbm:s22], [sflag:s12] =	dma.local [spmem:s13], $0x800  }
0x85: {  	_ =	swait.ge [sflag:s25], $0x800  }
0x86: {  	[sflag:s25] =	ssyncset.done $0x0  }
0x87: {  	[sflag:s25] =	ssyncadd.s32 $0xFFFFF800  }
0x88: {  	[hbm:s23], [sflag:s12] =	dma.local [spmem:s14], $0x800  }
0x89: {  	_ =	swait.ge [sflag:s25], $0x800  }
0x8a: {  	[sflag:s25] =	ssyncset.done $0x0  }
0x8b: {  	[sflag:s25] =	ssyncadd.s32 $0xFFFFF800  }
0x8c: {  	[hbm:s24], [sflag:s12] =	dma.local [spmem:s15], $0x800  }
0x8d: {  	_ =	swait.ge [sflag:s25], $0x800  }
0x8e: {  	s2 =	sadd.s32 $0x1, s2;
	s19 =	rddreg [dreg:$0x4]  }
0x8f: {  	p0 =	sne.s32 s2, s19  }
.Ltmp2:
0x90: {  	_ = 	snop;
	(pc) =	sbr.rel @p0 .LBB2_1-.Ltmp2, $3  }
0x91: {  	_ =	sdelay $0x1  }
0x92: {  	[sflag:s25] =	ssyncset.done $0x0  }
0x93: {  	[sflag:s25] =	ssyncadd.s32 $0xFFFFF800  }
0x94: {  	_ =	sfence.sel $0x180000  }
0x95: {  	[bflag:$0x0] =	sbarrier.arrive $0xFFFF  }
0x96: {  	_ =	strace $0x9000004D  }
0x97: {  	s0 =	stileid.u32;
	[bflag:$0x2] =	sbarrier.arrive $0xFFFF  }
0x98: {  	p0 =	sne.s32 s0, $0x0;
	s0 =	rddreg [dreg:$0x2]  }
0x99: {  	s0 =	sadd.s32 @!p0 $0x100000, s0  }
0x9a: {  	[sflag:s0] =	ssyncadd.tile.s32 @!p0 $0x1;
	_ =	shalt  }
.Lfunc_end2:
_tile_overlayer_lowered:
.L_overlay_start_2:
0x9b: {  	(tag) =	ssettag $0x2  }
0x9c: {  	s0 =	rddreg [dreg:$0x0];
	s2 =	stileid.u32  }
0x9d: {  	s1 =	rddreg [dreg:$0x1];
	p0 =	sne.s32 s2, $0x0  }
0x9e: {  	s3 =	rddreg [dreg:$0x2];
	[bflag:$0x3] =	sbarrier.arrive $0xFFFF;
	s2 =	simm.s32 @!p0 $0x1C03  }
0x9f: {  	[timem:s3], [sflag:s2] =	dma.local @!p0 [hbm:s0], s1  }
0xa0: {  	s0 =	simm.s32 @!p0 $0x3  }
0xa1: {  	_ =	swait.ge @!p0 [sflag:s0], s1  }
0xa2: {  	s1 =	ssub.s32 @!p0 $0x0, s1;
	[sflag:s0] =	ssyncset.done @!p0 $0x0  }
0xa3: {  	[sflag:s0] =	ssyncadd.s32 @!p0 s1  }
0xa4: {  	[bflag:$0x3] =	sbarrier.arrive $0xFFFF  }
0xa5: {  	_ =	shalt  }

// kernel: kernel.9.cloned.1.call-start
scs
__scs_entry_jumppad:
0x0: {  	(pc) =	sbr.rel $0x88, $3  }
0x1: {  	(tag) =	ssettag $0x0;
	lr =	simm.s32 $0x1  }
0x2: {  	[smem:$0x3F8C] =	sst lr;
	_ =	strace $0xD0000000  }
0x3: {  	_ = 	snop  }
0x4: {  	_ = 	snop  }
0x5: {  	_ = 	snop  }
0x6: {  	_ = 	snop  }
0x7: {  	_ = 	snop  }
__scs_overlays_trampoline_lowered:
0x8: {  	[smem:$0x3F9B] =	sst s0  }
0x9: {  	[smem:$0x3F9C] =	sst s1  }
0xa: {  	[smem:$0x3F9D] =	sst s2  }
0xb: {  	[smem:$0x3F9E] =	sst s3  }
0xc: {  	[smem:$0x3F9F] =	sst s4  }
0xd: {  	[smem:$0x3FA0] =	sst s5  }
0xe: {  	[smem:$0x3FA1] =	sst s6  }
0xf: {  	[smem:$0x3FA2] =	sst s7  }
0x10: {  	[smem:$0x3FA3] =	sst s8  }
0x11: {  	[smem:$0x3FA4] =	sst s9;
	s0 =	simm.s32 @!p0 $0x0  }
0x12: {  	s1 =	sld [smem:$0x3F8A];
	s0 =	simm.s32 @p0 $0x1  }
0x13: {  	[smem:$0x3FA5] =	sst s0;
	s0 =	simm.s32 @!p1 $0x0  }
0x14: {  	s2 =	sld [smem:$0x3F89];
	s0 =	simm.s32 @p1 $0x1  }
0x15: {  	[smem:$0x3FA6] =	sst s0;
	s0 =	simm.s32 @!p2 $0x0  }
0x16: {  	s3 =	sld [smem:$0x3FDB];
	s0 =	simm.s32 @p2 $0x1  }
0x17: {  	s4 =	simm.s32 $0x1BF5;
	[smem:$0x3FA8] =	sst s0  }
0x18: {  	s0 =	sld [smem:$0x3F8B];
	_ =	swait.ge [sflag:s4], $0x0  }
0x19: {  	s7 =	sld [smem:$0x3F8C]  }
0x1a: {  	s8 =	sadd.s32 $0xFFFFE003, lr  }
0x1b: {  	s9 =	sadd.s32 $0xFFFFFEF7, lr;
	s5 =	simm.s32 $0xFFFFFFFF;
	p2 =	slt.u32 s8, $0xFFFFF086  }
0x1c: {  	p1 =	slt.u32 s9, $0xF7A;
	s5 =	simm.s32 @!p2 $0x0  }
0x1d: {  	s5 =	simm.s32 @p1 $0x1;
	p0 =	seq.s32 s7, s2  }
0x1e: {  	s7 =	smul.u32 @!p0 $0xF7A, s2;
	p2 =	seq.s32 @!p0 s5, $0x0  }
0x1f: {  	s9 =	smul.u32 $0xF7A, s1;
	s8 =	simm.s32 @!p0 $0x1BF5;
	p2 =	por !p2, p0  }
0x20: {  	[sflag:s8] =	ssyncset.s32 @!p0 $0xFFFFF086;
	s6 =	sadd.s32 @!p0 s3, s7;
	s7 =	simm.s32 @!p0 $0x108  }
0x21: {  	s3 =	sadd.s32 s3, s9;
	s6 =	sadd.s32 @!p0 $0x88, s6;
	s7 =	simm.s32 @p2 $0x1082  }
0x22: {  	[simem:s7], [sflag:s8] =	dma.local @!p0 [hbm:s6], $0xF7A  }
0x23: {  	s9 =	sor.u32 $0xD0000000, s2;
	s6 =	simm.s32 $0x108;
	_ =	swait.ge @!p0 [sflag:s8], $0x0  }
0x24: {  	s3 =	sadd.s32 $0x88, s3;
	s6 =	simm.s32 @!p1 $0x1082;
	[sflag:s4] =	ssyncset.s32 $0xFFFFF086  }
0x25: {  	[simem:s6], [sflag:s4] =	dma.local [hbm:s3], $0xF7A  }
0x26: {  	[smem:$0x3F8C] =	sst s1;
	(tag) =	ssettag s2;
	_ =	strace s9  }
0x27: {  	s1 =	sld [smem:$0x3F9C]  }
0x28: {  	s2 =	sld [smem:$0x3F9D]  }
0x29: {  	s4 =	sld [smem:$0x3F9F]  }
0x2a: {  	p0 =	seq.s32 s5, $0x0;
	s5 =	sld [smem:$0x3FA0]  }
0x2b: {  	s6 =	sld [smem:$0x3FA1]  }
0x2c: {  	s7 =	sld [smem:$0x3FA2]  }
0x2d: {  	s3 =	simm.s32 $0x108;
	s8 =	sld [smem:$0x3FA3]  }
0x2e: {  	s3 =	simm.s32 @!p0 $0x1082;
	s9 =	sld [smem:$0x3FA4]  }
0x2f: {  	lr =	sadd.s32 s0, s3;
	s0 =	sld [smem:$0x3F9B]  }
0x30: {  	s3 =	sld [smem:$0x3F9E]  }
0x31: {  	[smem:$0x3FA7] =	sst s10  }
0x32: {  	s10 =	sld [smem:$0x3FA5];
	_ =	sdelay $0x3  }
0x33: {  	p0 =	seq.s32 s10, $0x1;
	s10 =	sld [smem:$0x3FA7];
	_ =	sdelay $0x3  }
0x34: {  	[smem:$0x3FA7] =	sst s10  }
0x35: {  	s10 =	sld [smem:$0x3FA6];
	_ =	sdelay $0x3  }
0x36: {  	p1 =	seq.s32 s10, $0x1;
	s10 =	sld [smem:$0x3FA7];
	_ =	sdelay $0x3  }
0x37: {  	[smem:$0x3FA7] =	sst s10  }
0x38: {  	s10 =	sld [smem:$0x3FA8]  }
0x39: {  	_ = 	snop;
	(pc) =	sbr.ind lr, $3  }
0x3a: {  	_ = 	snop  }
0x3b: {  	_ = 	snop  }
0x3c: {  	p2 =	seq.s32 s10, $0x1;
	s10 =	sld [smem:$0x3FA7]  }
0x3d: {  	_ =	shalt  }
0x3e: {  	_ =	shalt  }
0x3f: {  	_ =	shalt  }
0x40: {  	_ =	shalt  }
0x41: {  	_ =	shalt  }
0x42: {  	_ =	shalt  }
0x43: {  	_ =	shalt  }
0x44: {  	_ =	shalt  }
0x45: {  	_ =	shalt  }
0x46: {  	_ =	shalt  }
0x47: {  	_ =	shalt  }
0x48: {  	_ =	shalt  }
0x49: {  	_ =	shalt  }
0x4a: {  	_ =	shalt  }
0x4b: {  	_ =	shalt  }
0x4c: {  	_ =	shalt  }
0x4d: {  	_ =	shalt  }
0x4e: {  	_ =	shalt  }
0x4f: {  	_ =	shalt  }
0x50: {  	_ =	shalt  }
0x51: {  	_ =	shalt  }
0x52: {  	_ =	shalt  }
0x53: {  	_ =	shalt  }
0x54: {  	_ =	shalt  }
0x55: {  	_ =	shalt  }
0x56: {  	_ =	shalt  }
0x57: {  	_ =	shalt  }
0x58: {  	_ =	shalt  }
0x59: {  	_ =	shalt  }
0x5a: {  	_ =	shalt  }
0x5b: {  	_ =	shalt  }
0x5c: {  	_ =	shalt  }
0x5d: {  	_ =	shalt  }
0x5e: {  	_ =	shalt  }
0x5f: {  	_ =	shalt  }
0x60: {  	_ =	shalt  }
0x61: {  	_ =	shalt  }
0x62: {  	_ =	shalt  }
0x63: {  	_ =	shalt  }
0x64: {  	_ =	shalt  }
0x65: {  	_ =	shalt  }
0x66: {  	_ =	shalt  }
0x67: {  	_ =	shalt  }
0x68: {  	_ =	shalt  }
0x69: {  	_ =	shalt  }
0x6a: {  	_ =	shalt  }
0x6b: {  	_ =	shalt  }
0x6c: {  	_ =	shalt  }
0x6d: {  	_ =	shalt  }
0x6e: {  	_ =	shalt  }
0x6f: {  	_ =	shalt  }
0x70: {  	_ =	shalt  }
0x71: {  	_ =	shalt  }
0x72: {  	_ =	shalt  }
0x73: {  	_ =	shalt  }
0x74: {  	_ =	shalt  }
0x75: {  	_ =	shalt  }
0x76: {  	_ =	shalt  }
0x77: {  	_ =	shalt  }
0x78: {  	_ =	shalt  }
0x79: {  	_ =	shalt  }
0x7a: {  	_ =	shalt  }
0x7b: {  	_ =	shalt  }
0x7c: {  	_ =	shalt  }
0x7d: {  	_ =	shalt  }
0x7e: {  	_ =	shalt  }
0x7f: {  	_ =	shalt  }
0x80: {  	_ =	shalt  }
0x81: {  	_ =	shalt  }
0x82: {  	_ =	shalt  }
0x83: {  	_ =	shalt  }
0x84: {  	_ =	shalt  }
0x85: {  	_ =	shalt  }
0x86: {  	_ =	shalt  }
0x87: {  	_ =	shalt  }
.Lfunc_end0:
.L_simem_size_0:
called_computation_lowered:
.L_overlay_start_0:
0x88: {  	s2 =	sld [smem:$0x3FD9]  }
0x89: {  	s3 =	sld [smem:$0x3FFE];
	_ =	sdelay $0x1  }
0x8a: {  	s1 =	srdreg.scid  }
0x8b: {  	s0 =	sand.u32 $0x1, s1  }
0x8c: {  	s15 =	sshll.u32 s0, $0xA;
	s2 =	sadd.s32 s3, s2  }
0x8d: {  	s2 =	sadd.s32 s2, s15  }
0x8e: {  	[smem:$0x3FB3] =	sst s2  }
0x8f: {  	_ = 	snop  }
0x90: {  	s2 =	sld [smem:$0x3FD0];
	_ =	sdelay $0x2  }
0x91: {  	s16 =	simm.s32 $0xB;
	s4 =	simm.s32 $0x10  }
0x92: {  	[smem:s4], [sflag:s16] =	dma.local [hbm:s2], $0x1  }
0x93: {  	_ =	swait.eq [sflag:s16], $0x1  }
0x94: {  	[sflag:s16] =	ssyncset.done $0x0  }
0x95: {  	[sflag:s16] =	ssyncadd.s32 $0xFFFFFFFF  }
0x96: {  	s17 =	sld [smem:$0x11];
	(tm) =	ssettm $0x1  }
0x97: {  	s18 =	sld [smem:$0x3FFB];
	_ =	sdelay $0x3  }
0x98: {  	_ =	strace s18  }
0x99: {  	s2 =	sld [smem:$0x3FFC];
	_ =	sdelay $0x3  }
0x9a: {  	_ =	strace s2  }
0x9b: {  	s2 =	sld [smem:$0x3FFD];
	_ =	sdelay $0x3  }
0x9c: {  	_ =	strace s2  }
0x9d: {  	_ =	strace $0x8FFFFFFF  }
0x9e: {  	s19 =	sld [smem:$0x3FDB];
	_ =	sdelay $0x1  }
0x9f: {  	s20 =	simm.s32 $_scs_section_size  }
0xa0: {  	s5 =	simm.s32 $_size__tile_overlayer_lowered;
	s6 =	simm.s32 $_tile_overlayer_lowered  }
0xa1: {  	s7 =	simm.s32 $0x1BFF;
	s21 =	sshll.u32 s6, $0x1;
	s4 =	sadd.s32 s20, s19  }
0xa2: {  	s22 =	simm.s32 $0x0;
	s5 =	sshll.u32 s5, $0x1;
	s6 =	sadd.s32 s21, s4  }
0xa3: {  	[timem:s22], [sflag:s7] =	dma.local [hbm:s6], s5  }
0xa4: {  	_ =	swait.ge [sflag:s7], s5  }
0xa5: {  	s5 =	ssub.s32 $0x0, s5;
	[sflag:s7] =	ssyncset.done $0x0  }
0xa6: {  	[sflag:s7] =	ssyncadd.s32 s5;
	_ =	sdelay $0x1  }
0xa7: {  	s23 =	simm.s32 $0x1B8B  }
0xa8: {  	_ =	swait.ge [sflag:s23], $0x1  }
0xa9: {  	[sflag:s23] =	ssyncset.done $0x0  }
0xaa: {  	[sflag:s23] =	ssyncadd.s32 $0xFFFFFFFF  }
0xab: {  	s5 =	sld [smem:$0x0]  }
0xac: {  	s6 =	sand.u32 $0xFFFFFFFE, s1  }
0xad: {  	p0 =	sne.s32 s1, s6  }
0xae: {  	s6 =	sshll.u32 @p0 s6, $0xE  }
0xaf: {  	s6 =	sadd.s32 @p0 $0x11B8D, s6;
	s7 =	sshll.u32 @p0 s5, $0x11  }
0xb0: {  	s6 =	sor.u32 @p0 s7, s6  }
0xb1: {  	[sflag:s6] =	ssyncadd.remote.s32 @p0 $0x1;
	_ =	sdelay $0x1  }
0xb2: {  	s6 =	simm.s32 @p0 $0x1B8D  }
0xb3: {  	_ =	swait.eq @p0 [sflag:s6], $0x1  }
0xb4: {  	[sflag:s6] =	ssyncadd.s32 @p0 $0xFFFFFFFF  }
0xb5: {  	s7 =	sshll.u32 @!p0 s1, $0xE  }
0xb6: {  	s7 =	sor.u32 @!p0 $0x4000, s7;
	s6 =	simm.s32 @!p0 $0x1B8D  }
0xb7: {  	s5 =	sshll.u32 @!p0 s5, $0x11;
	s7 =	sadd.s32 @!p0 $0x11B8D, s7;
	_ =	swait.eq @!p0 [sflag:s6], $0x1  }
0xb8: {  	s5 =	sor.u32 @!p0 s5, s7;
	[sflag:s6] =	ssyncadd.s32 @!p0 $0xFFFFFFFF  }
0xb9: {  	s25 =	simm.s32 $0x1B8E;
	s24 =	sld [smem:$0x3FFE];
	[sflag:s5] =	ssyncadd.remote.s32 @!p0 $0x1  }
0xba: {  	s26 =	simm.s32 $execute0_lowered;
	[smem:$0x3FD2] =	sst s25  }
0xbb: {  	s6 =	sshll.u32 s26, $0x1;
	_ =	strace $0x80000049;
	[dreg:$0x1] =	wrdreg $0xFFFFFFFF  }
0xbc: {  	s28 =	simm.s32 $_size_execute0_lowered;
	s4 =	sadd.s32 s4, s6;
	[dreg:$0x0] =	wrdreg $0x0  }
0xbd: {  	s6 =	sshll.u32 s28, $0x1;
	[dreg:$0x2] =	wrdreg s4  }
0xbe: {  	[dreg:$0x3] =	wrdreg s6  }
0xbf: {  	[dreg:$0x4] =	wrdreg $0xC0  }
0xc0: {  	_ =	task [dreg:s22], $0x5FFFF  }
0xc1: {  	[dreg:$0x1] =	wrdreg $0xFFFFFFFF  }
0xc2: {  	[dreg:$0x0] =	wrdreg $0x60  }
0xc3: {  	[dreg:$0x2] =	wrdreg s24  }
0xc4: {  	[dreg:$0x3] =	wrdreg s17  }
0xc5: {  	[dreg:$0x4] =	wrdreg $0x50000  }
0xc6: {  	[dreg:$0x5] =	wrdreg $0x9  }
0xc7: {  	_ =	task.clear_ibuf [dreg:s22], $0x6FFFF;
	_ =	strace $0x90000049  }
0xc8: {  	s29 =	simm.s32 $0x9;
	_ =	strace $0x8000004B  }
0xc9: {  	_ =	swait.ge [sflag:s29], $0x1  }
0xca: {  	[sflag:s29] =	ssyncadd.s32 $0xFFFFFFFF  }
0xcb: {  	_ =	strace $0x9000004B  }
0xcc: {  	_ =	sfence  }
0xcd: {  	s30 =	sld [smem:$0x0];
	_ =	sdelay $0x2  }
0xce: {  	s31 =	sshll.u32 s1, $0xD;
	s1 =	sshrl.u32 s1, $0x2  }
0xcf: {  	s4 =	sand.u32 $0x4000, s31;
	s1 =	sadd.s32 s1, s30  }
0xd0: {  	s0 =	sor.u32 s4, s0;
	s1 =	sshll.u32 s1, $0x11  }
0xd1: {  	s0 =	sor.u32 s1, s0  }
0xd2: {  	s0 =	sadd.s32 $0x8F2B, s0  }
0xd3: {  	[sflag:s0] =	ssyncadd.remote.s32 $0x1  }
0xd4: {  	_ =	sfence.sel $0xFFFF  }
0xd5: {  	[dreg:$0x0] =	wrdreg $0xFFFFFFFF;
	(pc) =	sbr.abs _section_cstart, $3  }
0xd6: {  	[dreg:$0x1] =	wrdreg $0xFFFFFFFF  }
0xd7: {  	_ =	task.clear_ibuf [dreg:s22], $0x2FFFF;
	_ =	strace $0x9FFFFFFF  }
0xd8: {  	(tm) =	ssettm $0x7FFFFFFF  }
0xd9: {  	_ =	shalt  }
tec
execute0_lowered:
.L_overlay_start_1:
0x0: {  	(tag) =	ssettag $0x1  }
0x1: {  	s0 =	rddreg [dreg:$0x0];
	s9 =	stileid.u32  }
0x2: {  	s1 =	srdreg.scid;
	s4 =	smul.u32 $0x5000, s9  }
0x3: {  	s3 =	rddreg [dreg:$0x2];
	s5 =	simm.s32 $0x0;
	s17 =	smul.u32 $0x14000, s9  }
0x4: {  	s28 =	simm.s32 $0x1;
	s29 =	simm.s32 $0x1000;
	s8 =	smul.u32 $0x50000, s9  }
0x5: {  	s30 =	simm.s32 $0x80;
	s31 =	simm.s32 $0x0;
	s14 =	smul.u32 $0x280, s9  }
0x6: {  	s1 =	sand.u32 $0x1, s1;
	[smem:$0x7FF] =	sst s5;
	s19 =	smul.u32 $0x2800, s9  }
0x7: {  	s6 =	sadd.s32 $0x79A00, s0;
	s20 =	sshll.u32 s9, $0x6;
	s2 =	smul.u32 $0x50000, s1  }
0x8: {  	s26 =	smul.u32 $0x140000, s1;
	_ =	strace $0x8000004A;
	s1 =	ssub.s32 $0x2, s1  }
0x9: {  	s9 =	sor.u32 $0x1C01, s20;
	s7 =	sshrl.u32 s1, $0x1;
	s18 =	sshrl.u32 s8, $0x2  }
0xa: {  	s11 =	sadd.s32 $0x80, s14;
	s8 =	sadd.s32 s6, s19;
	s12 =	sadd.s32 $0x100, s14  }
0xb: {  	s15 =	sadd.s32 $0x180, s14;
	s2 =	sadd.s32 s4, s2;
	s5 =	sadd.s32 s26, s17  }
0xc: {  	s1 =	ssub.s32 s1, s7;
	s21 =	sshll.u32 s11, $0x7;
	s22 =	sshll.u32 s11, $0x4  }
0xd: {  	s23 =	sshll.u32 s12, $0x7;
	s13 =	sshll.u32 s12, $0x4;
	s19 =	sshll.u32 s15, $0x7  }
0xe: {  	s15 =	sshll.u32 s15, $0x4;
	s17 =	sadd.s32 $0x200, s14;
	s2 =	sshrl.u32 s2, $0x3  }
0xf: {  	s5 =	sshrl.u32 s5, $0x3;
	s1 =	smax.u32 s1, $0x1;
	s10 =	sadd.s32 s21, s3  }
0x10: {  	s11 =	sadd.s32 s6, s22;
	s12 =	sadd.s32 s23, s3;
	s13 =	sadd.s32 s6, s13  }
0x11: {  	s14 =	sadd.s32 s19, s3;
	s15 =	sadd.s32 s6, s15;
	s20 =	sshll.u32 s17, $0x7  }
0x12: {  	s17 =	sshll.u32 s17, $0x4;
	s24 =	sadd.s32 s26, s19;
	s2 =	sadd.s32 s2, s0  }
0x13: {  	s0 =	sadd.s32 $0xF1A00, s0;
	[dreg:$0x5] =	wrdreg s1;
	s1 =	sadd.s32 s18, s3  }
0x14: {  	s16 =	sadd.s32 s20, s3;
	s17 =	sadd.s32 s6, s17;
	s4 =	sadd.s32 s26, s20  }
0x15: {  	s5 =	sadd.s32 s0, s5;
	[dreg:$0x6] =	wrdreg s1;
	s1 =	sadd.s32 s26, s21  }
0x16: {  	s18 =	sadd.s32 $0x51A00, s2;
	s19 =	sadd.s32 $0x51C00, s2;
	s4 =	sshrl.u32 s4, $0x3  }
0x17: {  	[dreg:$0x4] =	wrdreg s5;
	s1 =	sshrl.u32 s1, $0x3;
	s5 =	sadd.s32 s26, s23  }
0x18: {  	s26 =	sshrl.u32 s24, $0x3;
	s23 =	sadd.s32 s0, s4;
	s24 =	sadd.s32 $0x51E00, s2  }
0x19: {  	s20 =	sadd.s32 s0, s1;
	s25 =	sshrl.u32 s5, $0x3;
	s22 =	sadd.s32 s0, s26  }
0x1a: {  	s26 =	sadd.s32 $0x52200, s2;
	s21 =	sadd.s32 s0, s25;
	s25 =	sadd.s32 $0x52000, s2  }
.LBB2_1:
0x1b: {  	s0 =	rddreg [dreg:$0x6]  }
0x1c: {  	s1 =	sshrl.u32 s0, $0x3  }
0x1d: {  	[spmem:s1], [sflag:s9] =	dma.local [hbm:s8], $0x800  }
0x1e: {  	_ =	swait.ge [sflag:s28], $0x800  }
0x1f: {  	[sflag:s28] =	ssyncset.done $0x0  }
0x20: {  	s0 =	sshrl.u32 s10, $0x3;
	[sflag:s28] =	ssyncadd.s32 $0xFFFFF800  }
0x21: {  	[spmem:s0], [sflag:s9] =	dma.local [hbm:s11], $0x800  }
0x22: {  	_ =	swait.ge [sflag:s28], $0x800  }
0x23: {  	[sflag:s28] =	ssyncset.done $0x0  }
0x24: {  	s2 =	sshrl.u32 s12, $0x3;
	[sflag:s28] =	ssyncadd.s32 $0xFFFFF800  }
0x25: {  	[spmem:s2], [sflag:s9] =	dma.local [hbm:s13], $0x800  }
0x26: {  	_ =	swait.ge [sflag:s28], $0x800  }
0x27: {  	[sflag:s28] =	ssyncset.done $0x0  }
0x28: {  	s4 =	sshrl.u32 s14, $0x3;
	[sflag:s28] =	ssyncadd.s32 $0xFFFFF800  }
0x29: {  	[spmem:s4], [sflag:s9] =	dma.local [hbm:s15], $0x800  }
0x2a: {  	_ =	swait.ge [sflag:s28], $0x800  }
0x2b: {  	[sflag:s28] =	ssyncset.done $0x0  }
0x2c: {  	s5 =	sshrl.u32 s16, $0x3;
	[sflag:s28] =	ssyncadd.s32 $0xFFFFF800  }
0x2d: {  	[spmem:s5], [sflag:s9] =	dma.local [hbm:s17], $0x800  }
0x2e: {  	_ =	swait.ge [sflag:s28], $0x800  }
0x2f: {  	[sflag:s28] =	ssyncset.done $0x0  }
0x30: {  	[sflag:s28] =	ssyncadd.s32 $0xFFFFF800  }
0x31: {  	s7 =	simm.s32 $0x0;
	s6 =	rddreg [dreg:$0x1]  }
0x32: {  	[tilespmem:s29], [sflag:$0x1] =	stream.linear.gather [hbm4b:s6+s7], $0x4000, $0x38;
	[tilespmem:$0x19000] =	vst v63  }
0x33: {  	_ =	swait.ge [sflag:s28], $0x4000  }
0x34: {  	[sflag:s28] =	ssyncset.done $0x0  }
0x35: {  	[sflag:s28] =	ssyncadd.s32 $0xFFFFC000  }
0x36: {  	[bflag:$0x0] =	sbarrier.arrive $0xFFFF  }
0x37: {  	[tilespmem:s7], [sflag:$0x1] =	stream.linear.gather [hbm4b:s18+s7], $0x1000, $0x38;
	[tilespmem:$0x19000] =	vst v63  }
0x38: {  	_ =	swait.ge [sflag:s28], $0x1000  }
0x39: {  	[sflag:s28] =	ssyncset.done $0x0  }
0x3a: {  	s7 =	simm.s32 $0x0;
	[sflag:s28] =	ssyncadd.s32 $0xFFFFF000  }
0x3b: {  	[spmem:s3] =	stream.indirect.scatter.add.f32 [tilespmem:s29], [sflag:$0x1], $0x80, s7, s30, $0xb8;
	[tilespmem:$0x19000] =	vst v63  }
0x3c: {  	_ =	swait.ge [sflag:s28], $0x4000  }
0x3d: {  	s6 =	simm.s32 $0x200;
	[sflag:s28] =	ssyncset.done $0x0  }
.LBB2_2:
0x3e: {  	s7 =	sshra.s32 s6, $0x2;
	[sflag:s28] =	ssyncadd.s32 $0xFFFFC000;
	p0 =	sne.s32 s6, $0x3E00  }
0x3f: {  	[spmem:s3] =	stream.indirect.scatter.add.f32 [tilespmem:s29], [sflag:$0x1], $0x80, s7, s30, $0xb8;
	[tilespmem:$0x19000] =	vst v63  }
.Ltmp0:
0x40: {  	_ = 	snop;
	(pc) =	sbr.rel @p0 .LBB2_2-.Ltmp0, $4  }
0x41: {  	_ = 	snop  }
0x42: {  	s6 =	sadd.s32 $0x200, s6  }
0x43: {  	_ =	swait.ge [sflag:s28], $0x4000  }
0x44: {  	[sflag:s28] =	ssyncset.done $0x0  }
0x45: {  	[sflag:s28] =	ssyncadd.s32 $0xFFFFC000;
	s6 =	simm.s32 $0x0  }
0x46: {  	[tilespmem:s6], [sflag:$0x1] =	stream.linear.gather [hbm4b:s19+s6], $0x1000, $0x38;
	[tilespmem:$0x19000] =	vst v63  }
0x47: {  	_ =	swait.ge [sflag:s28], $0x1000  }
0x48: {  	[sflag:s28] =	ssyncset.done $0x0  }
0x49: {  	s7 =	simm.s32 $0x0;
	[sflag:s28] =	ssyncadd.s32 $0xFFFFF000  }
0x4a: {  	[spmem:s3] =	stream.indirect.scatter.add.f32 [tilespmem:s29], [sflag:$0x1], $0x80, s7, s30, $0xb8;
	[tilespmem:$0x19000] =	vst v63  }
0x4b: {  	_ =	swait.ge [sflag:s28], $0x4000  }
0x4c: {  	s6 =	simm.s32 $0x200;
	[sflag:s28] =	ssyncset.done $0x0  }
.LBB2_4:
0x4d: {  	s7 =	sshra.s32 s6, $0x2;
	[sflag:s28] =	ssyncadd.s32 $0xFFFFC000;
	p0 =	sne.s32 s6, $0x3E00  }
0x4e: {  	[spmem:s3] =	stream.indirect.scatter.add.f32 [tilespmem:s29], [sflag:$0x1], $0x80, s7, s30, $0xb8;
	[tilespmem:$0x19000] =	vst v63  }
.Ltmp1:
0x4f: {  	_ = 	snop;
	(pc) =	sbr.rel @p0 .LBB2_4-.Ltmp1, $4  }
0x50: {  	_ = 	snop  }
0x51: {  	s6 =	sadd.s32 $0x200, s6  }
0x52: {  	_ =	swait.ge [sflag:s28], $0x4000  }
0x53: {  	[sflag:s28] =	ssyncset.done $0x0  }
0x54: {  	[sflag:s28] =	ssyncadd.s32 $0xFFFFC000;
	s6 =	simm.s32 $0x0  }
0x55: {  	[tilespmem:s6], [sflag:$0x1] =	stream.linear.gather [hbm4b:s24+s6], $0x1000, $0x38;
	[tilespmem:$0x19000] =	vst v63  }
0x56: {  	_ =	swait.ge [sflag:s28], $0x1000  }
0x57: {  	[sflag:s28] =	ssyncset.done $0x0  }
0x58: {  	s7 =	simm.s32 $0x0;
	[sflag:s28] =	ssyncadd.s32 $0xFFFFF000  }
0x59: {  	[spmem:s3] =	stream.indirect.scatter.add.f32 [tilespmem:s29], [sflag:$0x1], $0x80, s7, s30, $0xb8;
	[tilespmem:$0x19000] =	vst v63  }
0x5a: {  	_ =	swait.ge [sflag:s28], $0x4000  }
0x5b: {  	s6 =	simm.s32 $0x200;
	[sflag:s28] =	ssyncset.done $0x0  }
.LBB2_6:
0x5c: {  	s7 =	sshra.s32 s6, $0x2;
	[sflag:s28] =	ssyncadd.s32 $0xFFFFC000;
	p0 =	sne.s32 s6, $0x3E00  }
0x5d: {  	[spmem:s3] =	stream.indirect.scatter.add.f32 [tilespmem:s29], [sflag:$0x1], $0x80, s7, s30, $0xb8;
	[tilespmem:$0x19000] =	vst v63  }
.Ltmp2:
0x5e: {  	_ = 	snop;
	(pc) =	sbr.rel @p0 .LBB2_6-.Ltmp2, $4  }
0x5f: {  	_ = 	snop  }
0x60: {  	s6 =	sadd.s32 $0x200, s6  }
0x61: {  	_ =	swait.ge [sflag:s28], $0x4000  }
0x62: {  	[sflag:s28] =	ssyncset.done $0x0  }
0x63: {  	[sflag:s28] =	ssyncadd.s32 $0xFFFFC000;
	s6 =	simm.s32 $0x0  }
0x64: {  	[tilespmem:s6], [sflag:$0x1] =	stream.linear.gather [hbm4b:s25+s6], $0x1000, $0x38;
	[tilespmem:$0x19000] =	vst v63  }
0x65: {  	_ =	swait.ge [sflag:s28], $0x1000  }
0x66: {  	[sflag:s28] =	ssyncset.done $0x0  }
0x67: {  	s7 =	simm.s32 $0x0;
	[sflag:s28] =	ssyncadd.s32 $0xFFFFF000  }
0x68: {  	[spmem:s3] =	stream.indirect.scatter.add.f32 [tilespmem:s29], [sflag:$0x1], $0x80, s7, s30, $0xb8;
	[tilespmem:$0x19000] =	vst v63  }
0x69: {  	_ =	swait.ge [sflag:s28], $0x4000  }
0x6a: {  	s6 =	simm.s32 $0x200;
	[sflag:s28] =	ssyncset.done $0x0  }
.LBB2_8:
0x6b: {  	s7 =	sshra.s32 s6, $0x2;
	[sflag:s28] =	ssyncadd.s32 $0xFFFFC000;
	p0 =	sne.s32 s6, $0x3E00  }
0x6c: {  	[spmem:s3] =	stream.indirect.scatter.add.f32 [tilespmem:s29], [sflag:$0x1], $0x80, s7, s30, $0xb8;
	[tilespmem:$0x19000] =	vst v63  }
.Ltmp3:
0x6d: {  	_ = 	snop;
	(pc) =	sbr.rel @p0 .LBB2_8-.Ltmp3, $4  }
0x6e: {  	_ = 	snop  }
0x6f: {  	s6 =	sadd.s32 $0x200, s6  }
0x70: {  	_ =	swait.ge [sflag:s28], $0x4000  }
0x71: {  	[sflag:s28] =	ssyncset.done $0x0  }
0x72: {  	[sflag:s28] =	ssyncadd.s32 $0xFFFFC000;
	s6 =	simm.s32 $0x0  }
0x73: {  	[tilespmem:s6], [sflag:$0x1] =	stream.linear.gather [hbm4b:s26+s6], $0x1000, $0x38;
	[tilespmem:$0x19000] =	vst v63  }
0x74: {  	_ =	swait.ge [sflag:s28], $0x1000  }
0x75: {  	[sflag:s28] =	ssyncset.done $0x0  }
0x76: {  	s7 =	simm.s32 $0x0;
	[sflag:s28] =	ssyncadd.s32 $0xFFFFF000  }
0x77: {  	[spmem:s3] =	stream.indirect.scatter.add.f32 [tilespmem:s29], [sflag:$0x1], $0x80, s7, s30, $0xb8;
	[tilespmem:$0x19000] =	vst v63  }
0x78: {  	_ =	swait.ge [sflag:s28], $0x4000  }
0x79: {  	s6 =	simm.s32 $0x200;
	[sflag:s28] =	ssyncset.done $0x0  }
.LBB2_10:
0x7a: {  	s7 =	sshra.s32 s6, $0x2;
	[sflag:s28] =	ssyncadd.s32 $0xFFFFC000;
	p0 =	sne.s32 s6, $0x3E00  }
0x7b: {  	[spmem:s3] =	stream.indirect.scatter.add.f32 [tilespmem:s29], [sflag:$0x1], $0x80, s7, s30, $0xb8;
	[tilespmem:$0x19000] =	vst v63  }
.Ltmp4:
0x7c: {  	_ = 	snop;
	(pc) =	sbr.rel @p0 .LBB2_10-.Ltmp4, $4  }
0x7d: {  	_ = 	snop  }
0x7e: {  	s6 =	sadd.s32 $0x200, s6  }
0x7f: {  	_ =	swait.ge [sflag:s28], $0x4000  }
0x80: {  	[sflag:s28] =	ssyncset.done $0x0  }
0x81: {  	[sflag:s28] =	ssyncadd.s32 $0xFFFFC000  }
0x82: {  	[bflag:$0x0] =	sbarrier.arrive $0xFFFF  }
0x83: {  	s6 =	rddreg [dreg:$0x4]  }
0x84: {  	[hbm:s6], [sflag:s9] =	dma.local [spmem:s1], $0x800  }
0x85: {  	_ =	swait.ge [sflag:s28], $0x800  }
0x86: {  	[sflag:s28] =	ssyncset.done $0x0  }
0x87: {  	[sflag:s28] =	ssyncadd.s32 $0xFFFFF800  }
0x88: {  	[hbm:s20], [sflag:s9] =	dma.local [spmem:s0], $0x800  }
0x89: {  	_ =	swait.ge [sflag:s28], $0x800  }
0x8a: {  	[sflag:s28] =	ssyncset.done $0x0  }
0x8b: {  	[sflag:s28] =	ssyncadd.s32 $0xFFFFF800  }
0x8c: {  	[hbm:s21], [sflag:s9] =	dma.local [spmem:s2], $0x800  }
0x8d: {  	_ =	swait.ge [sflag:s28], $0x800  }
0x8e: {  	[sflag:s28] =	ssyncset.done $0x0  }
0x8f: {  	[sflag:s28] =	ssyncadd.s32 $0xFFFFF800  }
0x90: {  	[hbm:s22], [sflag:s9] =	dma.local [spmem:s4], $0x800  }
0x91: {  	_ =	swait.ge [sflag:s28], $0x800  }
0x92: {  	[sflag:s28] =	ssyncset.done $0x0  }
0x93: {  	[sflag:s28] =	ssyncadd.s32 $0xFFFFF800  }
0x94: {  	[hbm:s23], [sflag:s9] =	dma.local [spmem:s5], $0x800  }
0x95: {  	_ =	swait.ge [sflag:s28], $0x800  }
0x96: {  	s31 =	sadd.s32 $0x1, s31;
	s7 =	rddreg [dreg:$0x5]  }
0x97: {  	p0 =	sne.s32 s31, s7  }
.Ltmp5:
0x98: {  	_ = 	snop;
	(pc) =	sbr.rel @p0 .LBB2_1-.Ltmp5, $3  }
0x99: {  	_ =	sdelay $0x1  }
0x9a: {  	[sflag:s28] =	ssyncset.done $0x0  }
0x9b: {  	[sflag:s28] =	ssyncadd.s32 $0xFFFFF800  }
0x9c: {  	_ =	sfence.sel $0x180000  }
0x9d: {  	[bflag:$0x0] =	sbarrier.arrive $0xFFFF  }
0x9e: {  	_ =	strace $0x9000004A  }
0x9f: {  	s0 =	stileid.u32;
	[bflag:$0x2] =	sbarrier.arrive $0xFFFF  }
0xa0: {  	p0 =	sne.s32 s0, $0x0;
	s0 =	rddreg [dreg:$0x3]  }
0xa1: {  	s0 =	sadd.s32 @!p0 $0x100000, s0  }
0xa2: {  	[sflag:s0] =	ssyncadd.tile.s32 @!p0 $0x1;
	_ =	shalt  }
.Lfunc_end2:
_tile_overlayer_lowered:
.L_overlay_start_2:
0xa3: {  	(tag) =	ssettag $0x2  }
0xa4: {  	s0 =	rddreg [dreg:$0x0];
	s2 =	stileid.u32  }
0xa5: {  	s1 =	rddreg [dreg:$0x1];
	p0 =	sne.s32 s2, $0x0  }
0xa6: {  	s3 =	rddreg [dreg:$0x2];
	[bflag:$0x3] =	sbarrier.arrive $0xFFFF;
	s2 =	simm.s32 @!p0 $0x1C01  }
0xa7: {  	[timem:s3], [sflag:s2] =	dma.local @!p0 [hbm:s0], s1  }
0xa8: {  	s0 =	simm.s32 @!p0 $0x1  }
0xa9: {  	_ =	swait.ge @!p0 [sflag:s0], s1  }
0xaa: {  	s1 =	ssub.s32 @!p0 $0x0, s1;
	[sflag:s0] =	ssyncset.done @!p0 $0x0  }
0xab: {  	[sflag:s0] =	ssyncadd.s32 @!p0 s1  }
0xac: {  	[bflag:$0x3] =	sbarrier.arrive $0xFFFF  }
0xad: {  	_ =	shalt  }

</sc_bundles>
